<compile_context>
chip_gen: v7x
topology: tpu7x:2x2x1
jax: 0.10.2.dev20260603
libtpu: 0.0.44.dev20260713+nightly
codegen_flags: <defaults>
</compile_context>

<pallas_src>
import functools

import jax
import jax.numpy as jnp
from jax import lax
from jax.experimental import pallas as pl
from jax.experimental.pallas import tpu as pltpu
from jax.experimental.pallas import tpu_sc as plsc

B = 4
S = 2048
P = 64
D = 768
T = S + P

_INFO = plsc.get_sparse_core_info()
NC = _INFO.num_cores
NS = _INFO.num_subcores
NW = NC * NS

ROWS_W = (B * S) // NW
GEN_W = (B * P) // NW
WPB = S // ROWS_W
CH = 32
NSLOT = 5
NCH = ROWS_W // CH

_mesh = plsc.VectorSubcoreMesh(core_axis_name="c", subcore_axis_name="s")


@functools.partial(
    pl.kernel,
    mesh=_mesh,
    out_type=jax.ShapeDtypeStruct((B * T, D), jnp.float32),
    scratch_types=[
        pltpu.VMEM((NCH, CH), jnp.int32),
        pltpu.VMEM((GEN_W,), jnp.int32),
        pltpu.VMEM((NSLOT, CH, D), jnp.float32),
        pltpu.VMEM((GEN_W, D), jnp.float32),
        *([pltpu.SemaphoreType.DMA] * (2 * NSLOT + 1)),
    ],
)
def _sc_embed(ids_hbm, idsf_hbm, wte_hbm, gen_hbm, out_hbm,
              idx_v, gid_v, buf_v, gbuf_v, *sems):
    gsems = sems[:NSLOT]
    psems = sems[NSLOT:2 * NSLOT]
    gensem = sems[2 * NSLOT]
    wid = lax.axis_index("s") * NC + lax.axis_index("c")
    b = wid // WPB
    col = wid % WPB
    wbase = b * T + P + col * ROWS_W
    gbase = b * T + col * GEN_W

    gid_c = pltpu.async_copy(
        idsf_hbm.at[pl.ds(b * S + col * GEN_W, GEN_W)], gid_v, gensem)
    pltpu.sync_copy(ids_hbm.at[wid], idx_v)
    my_idx = idx_v

    gathers = [None] * NCH
    puts = [None] * NCH
    for s in range(NSLOT):
        gathers[s] = pltpu.async_copy(wte_hbm.at[my_idx.at[s]], buf_v.at[s],
                                      gsems[s])
    gid_c.wait()
    gen_g = pltpu.async_copy(gen_hbm.at[gid_v], gbuf_v, gensem)

    gen_p = None
    for c in range(NCH):
        slot = c % NSLOT
        gathers[c].wait()
        puts[c] = pltpu.async_copy(
            buf_v.at[slot], out_hbm.at[pl.ds(wbase + c * CH, CH)], psems[slot])
        if c == 0:
            gen_g.wait()
            gen_p = pltpu.async_copy(
                gbuf_v, out_hbm.at[pl.ds(gbase, GEN_W)], gensem)
        nxt = c + NSLOT
        if nxt < NCH:
            puts[c].wait()
            gathers[nxt] = pltpu.async_copy(
                wte_hbm.at[my_idx.at[nxt]], buf_v.at[slot], gsems[slot])

    gen_p.wait()
    for c in range(max(0, NCH - NSLOT), NCH):
        puts[c].wait()


def kernel(input_ids, wte, gen_table):
    ids32 = input_ids.astype(jnp.int32)
    ids_w = ids32.reshape(NW, NCH, CH)
    ids_f = ids32.reshape(B * S)
    out2d = _sc_embed(ids_w, ids_f, wte, gen_table)
    return out2d.reshape(B, T, D)

# --- scband reference (transcript-rebuilt; emitter-appended) ---
"""Pipeline reference for scband-soft-embedding-9990093931063 (READ-ONLY COPY).

The authoritative reference and input builder live on the scoring server;
editing this copy changes nothing except your own understanding.
"""

import jax, jax.numpy as jnp
import numpy as np

LEN_PROMPT = 64

def setup_inputs(seed: int = 0) -> dict:
    key = jax.random.key(seed)
    k1, k2, k3 = jax.random.split(key, 3)
    input_ids = jax.random.randint(k1, (4, 2048), 0, 100000, dtype=jnp.int64)
    wte = jax.random.normal(k2, (100000, 768), dtype=jnp.float32) * 0.02
    gen_table = jax.random.normal(k3, (100000, 768), dtype=jnp.float32) * 0.02
    return {"input_ids": input_ids, "wte": wte, "gen_table": gen_table}

def reference(input_ids, wte, gen_table):
    # Static (non-dynamic) generator branch of SoftEmbedding.forward:
    # generator(input_ids=prompt) modeled as a learned embedding lookup over prompt ids.
    prompt = input_ids[:, :LEN_PROMPT]
    target = input_ids[:, LEN_PROMPT:]
    soft_prompts = jnp.take(gen_table, prompt, axis=0)      # [B, len_prompt, D]
    prompt_embedding = jnp.take(wte, prompt, axis=0)        # [B, len_prompt, D]
    target_embedding = jnp.take(wte, target, axis=0)        # [B, S-len_prompt, D]
    embedding = jnp.concatenate([soft_prompts, prompt_embedding, target_embedding], axis=1)
    return embedding

if __name__ == "__main__":
    import jax
    _d = setup_inputs()
    print(jax.jit(kernel)(*tuple(_d.values())))

</pallas_src>

<mosaic_0001>
#map = affine_map<(d0, d1) -> (0, 0, 0)>
#map1 = affine_map<(d0, d1) -> (0)>
#map2 = affine_map<(d0, d1) -> (0, 0)>
module attributes {stable_mosaic.version = 14 : i64} {
  func.func @_sc_embed(%arg0: i32, %arg1: i32, %arg2: memref<32x8x32xi32, #tpu.memory_space<hbm>>, %arg3: memref<8192xi32, #tpu.memory_space<hbm>>, %arg4: memref<100000x768xf32, #tpu.memory_space<hbm>>, %arg5: memref<100000x768xf32, #tpu.memory_space<hbm>>, %arg6: memref<8448x768xf32, #tpu.memory_space<hbm>>, %arg7: memref<8x32xi32, #tpu.memory_space<vmem>>, %arg8: memref<8xi32, #tpu.memory_space<vmem>>, %arg9: memref<5x32x768xf32, #tpu.memory_space<vmem>>, %arg10: memref<8x768xf32, #tpu.memory_space<vmem>>, %arg11: memref<!tpu.dma_semaphore, #tpu.memory_space<semaphore_mem>>, %arg12: memref<!tpu.dma_semaphore, #tpu.memory_space<semaphore_mem>>, %arg13: memref<!tpu.dma_semaphore, #tpu.memory_space<semaphore_mem>>, %arg14: memref<!tpu.dma_semaphore, #tpu.memory_space<semaphore_mem>>, %arg15: memref<!tpu.dma_semaphore, #tpu.memory_space<semaphore_mem>>, %arg16: memref<!tpu.dma_semaphore, #tpu.memory_space<semaphore_mem>>, %arg17: memref<!tpu.dma_semaphore, #tpu.memory_space<semaphore_mem>>, %arg18: memref<!tpu.dma_semaphore, #tpu.memory_space<semaphore_mem>>, %arg19: memref<!tpu.dma_semaphore, #tpu.memory_space<semaphore_mem>>, %arg20: memref<!tpu.dma_semaphore, #tpu.memory_space<semaphore_mem>>, %arg21: memref<!tpu.dma_semaphore, #tpu.memory_space<semaphore_mem>>) attributes {dimension_semantics = [#tpu.dimension_semantics<core_parallel>, #tpu.dimension_semantics<subcore_parallel>], iteration_bounds = array<i64: 2, 16>, scalar_prefetch = 0 : i64, scratch_operands = 15 : i64, tpu.core_type = #tpu.core_type<sc_vector_subcore>, window_params = [{transform_indices = #map}, {transform_indices = #map1}, {transform_indices = #map2}, {transform_indices = #map2}, {transform_indices = #map2}]} {
    %mul3A = arith.constant 2 : i32
    %mul3A_0 = arith.muli %arg1, %mul3A : i32
    %add3A = arith.addi %mul3A_0, %arg0 : i32
    %jit3A = arith.constant 8 : i32
    %div3A = arith.divsi %add3A, %jit3A : i32
    %sign3A = arith.constant 0 : i32
    %sign3A_1 = arith.cmpi sgt, %add3A, %sign3A : i32
    %sign3A_2 = arith.extui %sign3A_1 : i1 to i32
    %sign3A_3 = arith.constant 0 : i32
    %sign3A_4 = arith.cmpi slt, %add3A, %sign3A_3 : i32
    %sign3A_5 = arith.extui %sign3A_4 : i1 to i32
    %sign3A_6 = arith.subi %sign3A_2, %sign3A_5 : i32
    %sign3A_7 = arith.constant 0 : i32
    %sign3A_8 = arith.cmpi sgt, %jit3A, %sign3A_7 : i32
    %sign3A_9 = arith.extui %sign3A_8 : i1 to i32
    %sign3A_10 = arith.constant 0 : i32
    %sign3A_11 = arith.cmpi slt, %jit3A, %sign3A_10 : i32
    %sign3A_12 = arith.extui %sign3A_11 : i1 to i32
    %sign3A_13 = arith.subi %sign3A_9, %sign3A_12 : i32
    %ne3A = arith.cmpi ne, %sign3A_6, %sign3A_13 : i32
    %rem3A = arith.remsi %add3A, %jit3A : i32
    %ne3A_14 = arith.constant 0 : i32
    %ne3A_15 = arith.cmpi ne, %rem3A, %ne3A_14 : i32
    %and3A = arith.andi %ne3A, %ne3A_15 : i1
    %sub3A = arith.constant 1 : i32
    %sub3A_16 = arith.subi %div3A, %sub3A : i32
    %select_n3A = arith.select %and3A, %sub3A_16, %div3A : i32
    %jit3A_17 = arith.constant 8 : i32
    %eq3A = arith.constant 0 : i32
    %eq3A_18 = arith.cmpi eq, %jit3A_17, %eq3A : i32
    %jit3A_19 = arith.constant 1 : i32
    %select_n3A_20 = arith.select %eq3A_18, %jit3A_19, %jit3A_17 : i32
    %rem3A_21 = arith.remsi %add3A, %select_n3A_20 : i32
    %ne3A_22 = arith.constant 0 : i32
    %ne3A_23 = arith.cmpi ne, %rem3A_21, %ne3A_22 : i32
    %lt3A = arith.constant 0 : i32
    %lt3A_24 = arith.cmpi slt, %rem3A_21, %lt3A : i32
    %lt3A_25 = arith.constant 0 : i32
    %lt3A_26 = arith.cmpi slt, %select_n3A_20, %lt3A_25 : i32
    %ne3A_27 = arith.xori %lt3A_24, %lt3A_26 : i1
    %and3A_28 = arith.andi %ne3A_27, %ne3A_23 : i1
    %add3A_29 = arith.addi %rem3A_21, %select_n3A_20 : i32
    %select_n3A_30 = arith.select %and3A_28, %add3A_29, %rem3A_21 : i32
    %mul3A_31 = arith.constant 2112 : i32
    %mul3A_32 = arith.muli %select_n3A, %mul3A_31 : i32
    %add3A_33 = arith.constant 64 : i32
    %add3A_34 = arith.addi %mul3A_32, %add3A_33 : i32
    %mul3A_35 = arith.constant 256 : i32
    %mul3A_36 = arith.muli %select_n3A_30, %mul3A_35 : i32
    %add3A_37 = arith.addi %add3A_34, %mul3A_36 : i32
    %mul3A_38 = arith.constant 2112 : i32
    %mul3A_39 = arith.muli %select_n3A, %mul3A_38 : i32
    %mul3A_40 = arith.constant 8 : i32
    %mul3A_41 = arith.muli %select_n3A_30, %mul3A_40 : i32
    %add3A_42 = arith.addi %mul3A_39, %mul3A_41 : i32
    %mul3A_43 = arith.constant 2048 : i32
    %mul3A_44 = arith.muli %select_n3A, %mul3A_43 : i32
    %mul3A_45 = arith.constant 8 : i32
    %mul3A_46 = arith.muli %select_n3A_30, %mul3A_45 : i32
    %add3A_47 = arith.addi %mul3A_44, %mul3A_46 : i32
    %dma_start3A = tpu.memref_slice %arg3[%add3A_47] : memref<8192xi32, #tpu.memory_space<hbm>> -> memref<8xi32, #tpu.memory_space<hbm>>
    %dma_start3A_48 = tpu.memref_slice %arg3[%add3A_47] : memref<8192xi32, #tpu.memory_space<hbm>> -> memref<8xi32, #tpu.memory_space<hbm>>
    tpu.enqueue_dma source(%dma_start3A_48 : memref<8xi32, #tpu.memory_space<hbm>>) target(%arg8 : memref<8xi32, #tpu.memory_space<vmem>>) target_semaphore(%arg21 : memref<!tpu.dma_semaphore, #tpu.memory_space<semaphore_mem>>)
    "tpu.region"() ({
      %run_scoped3A = tpu.sem_alloc : memref<!tpu.dma_semaphore, #tpu.memory_space<semaphore_mem>>
      %dma_start3A_480 = arith.constant 0 : i32
      %dma_start3A_481 = arith.constant 0 : i32
      %dma_start3A_482 = tpu.memref_slice %arg2[%add3A, %dma_start3A_480, %dma_start3A_481] : memref<32x8x32xi32, #tpu.memory_space<hbm>> -> memref<1x8x32xi32, #tpu.memory_space<hbm>>
      %dma_start3A_483 = tpu.memref_squeeze %dma_start3A_482 : memref<1x8x32xi32, #tpu.memory_space<hbm>> -> memref<8x32xi32, #tpu.memory_space<hbm>>
      %dma_start3A_484 = arith.constant 0 : i32
      %dma_start3A_485 = arith.constant 0 : i32
      %dma_start3A_486 = tpu.memref_slice %arg2[%add3A, %dma_start3A_484, %dma_start3A_485] : memref<32x8x32xi32, #tpu.memory_space<hbm>> -> memref<1x8x32xi32, #tpu.memory_space<hbm>>
      %dma_start3A_487 = tpu.memref_squeeze %dma_start3A_486 : memref<1x8x32xi32, #tpu.memory_space<hbm>> -> memref<8x32xi32, #tpu.memory_space<hbm>>
      tpu.enqueue_dma source(%dma_start3A_487 : memref<8x32xi32, #tpu.memory_space<hbm>>) target(%arg7 : memref<8x32xi32, #tpu.memory_space<vmem>>) target_semaphore(%run_scoped3A : memref<!tpu.dma_semaphore, #tpu.memory_space<semaphore_mem>>)
      %dma_wait3A_488 = arith.constant 0 : i32
      %dma_wait3A_489 = arith.constant 0 : i32
      %dma_wait3A_490 = tpu.memref_slice %arg2[%add3A, %dma_wait3A_488, %dma_wait3A_489] : memref<32x8x32xi32, #tpu.memory_space<hbm>> -> memref<1x8x32xi32, #tpu.memory_space<hbm>>
      %dma_wait3A_491 = tpu.memref_squeeze %dma_wait3A_490 : memref<1x8x32xi32, #tpu.memory_space<hbm>> -> memref<8x32xi32, #tpu.memory_space<hbm>>
      %dma_wait3A_492 = arith.constant 0 : i32
      %dma_wait3A_493 = arith.constant 0 : i32
      %dma_wait3A_494 = tpu.memref_slice %arg2[%add3A, %dma_wait3A_492, %dma_wait3A_493] : memref<32x8x32xi32, #tpu.memory_space<hbm>> -> memref<1x8x32xi32, #tpu.memory_space<hbm>>
      %dma_wait3A_495 = tpu.memref_squeeze %dma_wait3A_494 : memref<1x8x32xi32, #tpu.memory_space<hbm>> -> memref<8x32xi32, #tpu.memory_space<hbm>>
      tpu.wait_dma2 semaphore(%run_scoped3A : memref<!tpu.dma_semaphore, #tpu.memory_space<semaphore_mem>>) src(%dma_wait3A_495 : memref<8x32xi32, #tpu.memory_space<hbm>>) dst(%arg7 : memref<8x32xi32, #tpu.memory_space<vmem>>)
      tpu.yield
    }) : () -> ()
    %dma_start3A_49 = arith.constant 0 : i32
    %dma_start3A_50 = arith.constant 0 : i32
    %dma_start3A_51 = arith.constant 0 : i32
    %dma_start3A_52 = arith.constant 0 : i32
    %dma_start3A_53 = tpu.memref_slice %arg9[%dma_start3A_50, %dma_start3A_51, %dma_start3A_52] : memref<5x32x768xf32, #tpu.memory_space<vmem>> -> memref<1x32x768xf32, #tpu.memory_space<vmem>>
    %dma_start3A_54 = tpu.memref_squeeze %dma_start3A_53 : memref<1x32x768xf32, #tpu.memory_space<vmem>> -> memref<32x768xf32, #tpu.memory_space<vmem>>
    %dma_start3A_55 = arith.constant 0 : i32
    %dma_start3A_56 = tpu.memref_slice %arg7[%dma_start3A_49, %dma_start3A_55] : memref<8x32xi32, #tpu.memory_space<vmem>> -> memref<1x32xi32, #tpu.memory_space<vmem>>
    %dma_start3A_57 = tpu.memref_squeeze %dma_start3A_56 : memref<1x32xi32, #tpu.memory_space<vmem>> -> memref<32xi32, #tpu.memory_space<vmem>>
    %dma_start3A_58 = arith.constant 0 : i32
    %dma_start3A_59 = arith.constant 0 : i32
    %dma_start3A_60 = tpu.memref_slice %arg4[%dma_start3A_58, %dma_start3A_59] : memref<100000x768xf32, #tpu.memory_space<hbm>> -> memref<100000x768xf32, #tpu.memory_space<hbm>>
    tpu.enqueue_indirect_dma source(%dma_start3A_60 : memref<100000x768xf32, #tpu.memory_space<hbm>>) target(%dma_start3A_54 : memref<32x768xf32, #tpu.memory_space<vmem>>) offsets(%dma_start3A_57 : memref<32xi32, #tpu.memory_space<vmem>>) semaphore(%arg11 : memref<!tpu.dma_semaphore, #tpu.memory_space<semaphore_mem>>)
    %dma_start3A_61 = arith.constant 1 : i32
    %dma_start3A_62 = arith.constant 1 : i32
    %dma_start3A_63 = arith.constant 0 : i32
    %dma_start3A_64 = arith.constant 0 : i32
    %dma_start3A_65 = tpu.memref_slice %arg9[%dma_start3A_62, %dma_start3A_63, %dma_start3A_64] : memref<5x32x768xf32, #tpu.memory_space<vmem>> -> memref<1x32x768xf32, #tpu.memory_space<vmem>>
    %dma_start3A_66 = tpu.memref_squeeze %dma_start3A_65 : memref<1x32x768xf32, #tpu.memory_space<vmem>> -> memref<32x768xf32, #tpu.memory_space<vmem>>
    %dma_start3A_67 = arith.constant 0 : i32
    %dma_start3A_68 = tpu.memref_slice %arg7[%dma_start3A_61, %dma_start3A_67] : memref<8x32xi32, #tpu.memory_space<vmem>> -> memref<1x32xi32, #tpu.memory_space<vmem>>
    %dma_start3A_69 = tpu.memref_squeeze %dma_start3A_68 : memref<1x32xi32, #tpu.memory_space<vmem>> -> memref<32xi32, #tpu.memory_space<vmem>>
    %dma_start3A_70 = arith.constant 0 : i32
    %dma_start3A_71 = arith.constant 0 : i32
    %dma_start3A_72 = tpu.memref_slice %arg4[%dma_start3A_70, %dma_start3A_71] : memref<100000x768xf32, #tpu.memory_space<hbm>> -> memref<100000x768xf32, #tpu.memory_space<hbm>>
    tpu.enqueue_indirect_dma source(%dma_start3A_72 : memref<100000x768xf32, #tpu.memory_space<hbm>>) target(%dma_start3A_66 : memref<32x768xf32, #tpu.memory_space<vmem>>) offsets(%dma_start3A_69 : memref<32xi32, #tpu.memory_space<vmem>>) semaphore(%arg12 : memref<!tpu.dma_semaphore, #tpu.memory_space<semaphore_mem>>)
    %dma_start3A_73 = arith.constant 2 : i32
    %dma_start3A_74 = arith.constant 2 : i32
    %dma_start3A_75 = arith.constant 0 : i32
    %dma_start3A_76 = arith.constant 0 : i32
    %dma_start3A_77 = tpu.memref_slice %arg9[%dma_start3A_74, %dma_start3A_75, %dma_start3A_76] : memref<5x32x768xf32, #tpu.memory_space<vmem>> -> memref<1x32x768xf32, #tpu.memory_space<vmem>>
    %dma_start3A_78 = tpu.memref_squeeze %dma_start3A_77 : memref<1x32x768xf32, #tpu.memory_space<vmem>> -> memref<32x768xf32, #tpu.memory_space<vmem>>
    %dma_start3A_79 = arith.constant 0 : i32
    %dma_start3A_80 = tpu.memref_slice %arg7[%dma_start3A_73, %dma_start3A_79] : memref<8x32xi32, #tpu.memory_space<vmem>> -> memref<1x32xi32, #tpu.memory_space<vmem>>
    %dma_start3A_81 = tpu.memref_squeeze %dma_start3A_80 : memref<1x32xi32, #tpu.memory_space<vmem>> -> memref<32xi32, #tpu.memory_space<vmem>>
    %dma_start3A_82 = arith.constant 0 : i32
    %dma_start3A_83 = arith.constant 0 : i32
    %dma_start3A_84 = tpu.memref_slice %arg4[%dma_start3A_82, %dma_start3A_83] : memref<100000x768xf32, #tpu.memory_space<hbm>> -> memref<100000x768xf32, #tpu.memory_space<hbm>>
    tpu.enqueue_indirect_dma source(%dma_start3A_84 : memref<100000x768xf32, #tpu.memory_space<hbm>>) target(%dma_start3A_78 : memref<32x768xf32, #tpu.memory_space<vmem>>) offsets(%dma_start3A_81 : memref<32xi32, #tpu.memory_space<vmem>>) semaphore(%arg13 : memref<!tpu.dma_semaphore, #tpu.memory_space<semaphore_mem>>)
    %dma_start3A_85 = arith.constant 3 : i32
    %dma_start3A_86 = arith.constant 3 : i32
    %dma_start3A_87 = arith.constant 0 : i32
    %dma_start3A_88 = arith.constant 0 : i32
    %dma_start3A_89 = tpu.memref_slice %arg9[%dma_start3A_86, %dma_start3A_87, %dma_start3A_88] : memref<5x32x768xf32, #tpu.memory_space<vmem>> -> memref<1x32x768xf32, #tpu.memory_space<vmem>>
    %dma_start3A_90 = tpu.memref_squeeze %dma_start3A_89 : memref<1x32x768xf32, #tpu.memory_space<vmem>> -> memref<32x768xf32, #tpu.memory_space<vmem>>
    %dma_start3A_91 = arith.constant 0 : i32
    %dma_start3A_92 = tpu.memref_slice %arg7[%dma_start3A_85, %dma_start3A_91] : memref<8x32xi32, #tpu.memory_space<vmem>> -> memref<1x32xi32, #tpu.memory_space<vmem>>
    %dma_start3A_93 = tpu.memref_squeeze %dma_start3A_92 : memref<1x32xi32, #tpu.memory_space<vmem>> -> memref<32xi32, #tpu.memory_space<vmem>>
    %dma_start3A_94 = arith.constant 0 : i32
    %dma_start3A_95 = arith.constant 0 : i32
    %dma_start3A_96 = tpu.memref_slice %arg4[%dma_start3A_94, %dma_start3A_95] : memref<100000x768xf32, #tpu.memory_space<hbm>> -> memref<100000x768xf32, #tpu.memory_space<hbm>>
    tpu.enqueue_indirect_dma source(%dma_start3A_96 : memref<100000x768xf32, #tpu.memory_space<hbm>>) target(%dma_start3A_90 : memref<32x768xf32, #tpu.memory_space<vmem>>) offsets(%dma_start3A_93 : memref<32xi32, #tpu.memory_space<vmem>>) semaphore(%arg14 : memref<!tpu.dma_semaphore, #tpu.memory_space<semaphore_mem>>)
    %dma_start3A_97 = arith.constant 4 : i32
    %dma_start3A_98 = arith.constant 4 : i32
    %dma_start3A_99 = arith.constant 0 : i32
    %dma_start3A_100 = arith.constant 0 : i32
    %dma_start3A_101 = tpu.memref_slice %arg9[%dma_start3A_98, %dma_start3A_99, %dma_start3A_100] : memref<5x32x768xf32, #tpu.memory_space<vmem>> -> memref<1x32x768xf32, #tpu.memory_space<vmem>>
    %dma_start3A_102 = tpu.memref_squeeze %dma_start3A_101 : memref<1x32x768xf32, #tpu.memory_space<vmem>> -> memref<32x768xf32, #tpu.memory_space<vmem>>
    %dma_start3A_103 = arith.constant 0 : i32
    %dma_start3A_104 = tpu.memref_slice %arg7[%dma_start3A_97, %dma_start3A_103] : memref<8x32xi32, #tpu.memory_space<vmem>> -> memref<1x32xi32, #tpu.memory_space<vmem>>
    %dma_start3A_105 = tpu.memref_squeeze %dma_start3A_104 : memref<1x32xi32, #tpu.memory_space<vmem>> -> memref<32xi32, #tpu.memory_space<vmem>>
    %dma_start3A_106 = arith.constant 0 : i32
    %dma_start3A_107 = arith.constant 0 : i32
    %dma_start3A_108 = tpu.memref_slice %arg4[%dma_start3A_106, %dma_start3A_107] : memref<100000x768xf32, #tpu.memory_space<hbm>> -> memref<100000x768xf32, #tpu.memory_space<hbm>>
    tpu.enqueue_indirect_dma source(%dma_start3A_108 : memref<100000x768xf32, #tpu.memory_space<hbm>>) target(%dma_start3A_102 : memref<32x768xf32, #tpu.memory_space<vmem>>) offsets(%dma_start3A_105 : memref<32xi32, #tpu.memory_space<vmem>>) semaphore(%arg15 : memref<!tpu.dma_semaphore, #tpu.memory_space<semaphore_mem>>)
    %dma_wait3A = tpu.memref_slice %arg3[%add3A_47] : memref<8192xi32, #tpu.memory_space<hbm>> -> memref<8xi32, #tpu.memory_space<hbm>>
    %dma_wait3A_109 = tpu.memref_slice %arg3[%add3A_47] : memref<8192xi32, #tpu.memory_space<hbm>> -> memref<8xi32, #tpu.memory_space<hbm>>
    tpu.wait_dma2 semaphore(%arg21 : memref<!tpu.dma_semaphore, #tpu.memory_space<semaphore_mem>>) src(%dma_wait3A_109 : memref<8xi32, #tpu.memory_space<hbm>>) dst(%arg8 : memref<8xi32, #tpu.memory_space<vmem>>)
    %dma_start3A_110 = arith.constant 0 : i32
    %dma_start3A_111 = arith.constant 0 : i32
    %dma_start3A_112 = tpu.memref_slice %arg5[%dma_start3A_110, %dma_start3A_111] : memref<100000x768xf32, #tpu.memory_space<hbm>> -> memref<100000x768xf32, #tpu.memory_space<hbm>>
    tpu.enqueue_indirect_dma source(%dma_start3A_112 : memref<100000x768xf32, #tpu.memory_space<hbm>>) target(%arg10 : memref<8x768xf32, #tpu.memory_space<vmem>>) offsets(%arg8 : memref<8xi32, #tpu.memory_space<vmem>>) semaphore(%arg21 : memref<!tpu.dma_semaphore, #tpu.memory_space<semaphore_mem>>)
    %dma_wait3A_113 = arith.constant 0 : i32
    %dma_wait3A_114 = arith.constant 0 : i32
    %dma_wait3A_115 = arith.constant 0 : i32
    %dma_wait3A_116 = arith.constant 0 : i32
    %dma_wait3A_117 = tpu.memref_slice %arg9[%dma_wait3A_114, %dma_wait3A_115, %dma_wait3A_116] : memref<5x32x768xf32, #tpu.memory_space<vmem>> -> memref<1x32x768xf32, #tpu.memory_space<vmem>>
    %dma_wait3A_118 = tpu.memref_squeeze %dma_wait3A_117 : memref<1x32x768xf32, #tpu.memory_space<vmem>> -> memref<32x768xf32, #tpu.memory_space<vmem>>
    %dma_wait3A_119 = arith.constant 0 : i32
    %dma_wait3A_120 = tpu.memref_slice %arg7[%dma_wait3A_113, %dma_wait3A_119] : memref<8x32xi32, #tpu.memory_space<vmem>> -> memref<1x32xi32, #tpu.memory_space<vmem>>
    %dma_wait3A_121 = tpu.memref_squeeze %dma_wait3A_120 : memref<1x32xi32, #tpu.memory_space<vmem>> -> memref<32xi32, #tpu.memory_space<vmem>>
    %dma_wait3A_122 = arith.constant 0 : i32
    %dma_wait3A_123 = arith.constant 0 : i32
    %dma_wait3A_124 = tpu.memref_slice %arg4[%dma_wait3A_122, %dma_wait3A_123] : memref<100000x768xf32, #tpu.memory_space<hbm>> -> memref<100000x768xf32, #tpu.memory_space<hbm>>
    tpu.wait_indirect_dma semaphore(%arg11 : memref<!tpu.dma_semaphore, #tpu.memory_space<semaphore_mem>>) src(%dma_wait3A_124 : memref<100000x768xf32, #tpu.memory_space<hbm>>) dst(%dma_wait3A_118 : memref<32x768xf32, #tpu.memory_space<vmem>>)
    %add3A_125 = arith.constant 0 : i32
    %add3A_126 = arith.addi %add3A_37, %add3A_125 : i32
    %dma_start3A_127 = arith.constant 0 : i32
    %dma_start3A_128 = arith.constant 0 : i32
    %dma_start3A_129 = arith.constant 0 : i32
    %dma_start3A_130 = tpu.memref_slice %arg9[%dma_start3A_127, %dma_start3A_128, %dma_start3A_129] : memref<5x32x768xf32, #tpu.memory_space<vmem>> -> memref<1x32x768xf32, #tpu.memory_space<vmem>>
    %dma_start3A_131 = tpu.memref_squeeze %dma_start3A_130 : memref<1x32x768xf32, #tpu.memory_space<vmem>> -> memref<32x768xf32, #tpu.memory_space<vmem>>
    %dma_start3A_132 = arith.constant 0 : i32
    %dma_start3A_133 = tpu.memref_slice %arg6[%add3A_126, %dma_start3A_132] : memref<8448x768xf32, #tpu.memory_space<hbm>> -> memref<32x768xf32, #tpu.memory_space<hbm>>
    %dma_start3A_134 = arith.constant 0 : i32
    %dma_start3A_135 = tpu.memref_slice %arg6[%add3A_126, %dma_start3A_134] : memref<8448x768xf32, #tpu.memory_space<hbm>> -> memref<32x768xf32, #tpu.memory_space<hbm>>
    %dma_start3A_136 = arith.constant 0 : i32
    %dma_start3A_137 = arith.constant 0 : i32
    %dma_start3A_138 = tpu.memref_slice %arg9[%dma_start3A_127, %dma_start3A_136, %dma_start3A_137] : memref<5x32x768xf32, #tpu.memory_space<vmem>> -> memref<1x32x768xf32, #tpu.memory_space<vmem>>
    %dma_start3A_139 = tpu.memref_squeeze %dma_start3A_138 : memref<1x32x768xf32, #tpu.memory_space<vmem>> -> memref<32x768xf32, #tpu.memory_space<vmem>>
    tpu.enqueue_dma source(%dma_start3A_139 : memref<32x768xf32, #tpu.memory_space<vmem>>) target(%dma_start3A_135 : memref<32x768xf32, #tpu.memory_space<hbm>>) target_semaphore(%arg16 : memref<!tpu.dma_semaphore, #tpu.memory_space<semaphore_mem>>)
    %dma_wait3A_140 = arith.constant 0 : i32
    %dma_wait3A_141 = arith.constant 0 : i32
    %dma_wait3A_142 = tpu.memref_slice %arg5[%dma_wait3A_140, %dma_wait3A_141] : memref<100000x768xf32, #tpu.memory_space<hbm>> -> memref<100000x768xf32, #tpu.memory_space<hbm>>
    tpu.wait_indirect_dma semaphore(%arg21 : memref<!tpu.dma_semaphore, #tpu.memory_space<semaphore_mem>>) src(%dma_wait3A_142 : memref<100000x768xf32, #tpu.memory_space<hbm>>) dst(%arg10 : memref<8x768xf32, #tpu.memory_space<vmem>>)
    %dma_start3A_143 = arith.constant 0 : i32
    %dma_start3A_144 = tpu.memref_slice %arg6[%add3A_42, %dma_start3A_143] : memref<8448x768xf32, #tpu.memory_space<hbm>> -> memref<8x768xf32, #tpu.memory_space<hbm>>
    %dma_start3A_145 = arith.constant 0 : i32
    %dma_start3A_146 = tpu.memref_slice %arg6[%add3A_42, %dma_start3A_145] : memref<8448x768xf32, #tpu.memory_space<hbm>> -> memref<8x768xf32, #tpu.memory_space<hbm>>
    tpu.enqueue_dma source(%arg10 : memref<8x768xf32, #tpu.memory_space<vmem>>) target(%dma_start3A_146 : memref<8x768xf32, #tpu.memory_space<hbm>>) target_semaphore(%arg21 : memref<!tpu.dma_semaphore, #tpu.memory_space<semaphore_mem>>)
    %dma_wait3A_147 = arith.constant 0 : i32
    %dma_wait3A_148 = arith.constant 0 : i32
    %dma_wait3A_149 = arith.constant 0 : i32
    %dma_wait3A_150 = tpu.memref_slice %arg9[%dma_wait3A_147, %dma_wait3A_148, %dma_wait3A_149] : memref<5x32x768xf32, #tpu.memory_space<vmem>> -> memref<1x32x768xf32, #tpu.memory_space<vmem>>
    %dma_wait3A_151 = tpu.memref_squeeze %dma_wait3A_150 : memref<1x32x768xf32, #tpu.memory_space<vmem>> -> memref<32x768xf32, #tpu.memory_space<vmem>>
    %dma_wait3A_152 = arith.constant 0 : i32
    %dma_wait3A_153 = tpu.memref_slice %arg6[%add3A_126, %dma_wait3A_152] : memref<8448x768xf32, #tpu.memory_space<hbm>> -> memref<32x768xf32, #tpu.memory_space<hbm>>
    %dma_wait3A_154 = arith.constant 0 : i32
    %dma_wait3A_155 = tpu.memref_slice %arg6[%add3A_126, %dma_wait3A_154] : memref<8448x768xf32, #tpu.memory_space<hbm>> -> memref<32x768xf32, #tpu.memory_space<hbm>>
    %dma_wait3A_156 = arith.constant 0 : i32
    %dma_wait3A_157 = arith.constant 0 : i32
    %dma_wait3A_158 = tpu.memref_slice %arg9[%dma_wait3A_147, %dma_wait3A_156, %dma_wait3A_157] : memref<5x32x768xf32, #tpu.memory_space<vmem>> -> memref<1x32x768xf32, #tpu.memory_space<vmem>>
    %dma_wait3A_159 = tpu.memref_squeeze %dma_wait3A_158 : memref<1x32x768xf32, #tpu.memory_space<vmem>> -> memref<32x768xf32, #tpu.memory_space<vmem>>
    tpu.wait_dma2 semaphore(%arg16 : memref<!tpu.dma_semaphore, #tpu.memory_space<semaphore_mem>>) src(%dma_wait3A_159 : memref<32x768xf32, #tpu.memory_space<vmem>>) dst(%dma_wait3A_155 : memref<32x768xf32, #tpu.memory_space<hbm>>)
    %dma_start3A_160 = arith.constant 5 : i32
    %dma_start3A_161 = arith.constant 0 : i32
    %dma_start3A_162 = arith.constant 0 : i32
    %dma_start3A_163 = arith.constant 0 : i32
    %dma_start3A_164 = tpu.memref_slice %arg9[%dma_start3A_161, %dma_start3A_162, %dma_start3A_163] : memref<5x32x768xf32, #tpu.memory_space<vmem>> -> memref<1x32x768xf32, #tpu.memory_space<vmem>>
    %dma_start3A_165 = tpu.memref_squeeze %dma_start3A_164 : memref<1x32x768xf32, #tpu.memory_space<vmem>> -> memref<32x768xf32, #tpu.memory_space<vmem>>
    %dma_start3A_166 = arith.constant 0 : i32
    %dma_start3A_167 = tpu.memref_slice %arg7[%dma_start3A_160, %dma_start3A_166] : memref<8x32xi32, #tpu.memory_space<vmem>> -> memref<1x32xi32, #tpu.memory_space<vmem>>
    %dma_start3A_168 = tpu.memref_squeeze %dma_start3A_167 : memref<1x32xi32, #tpu.memory_space<vmem>> -> memref<32xi32, #tpu.memory_space<vmem>>
    %dma_start3A_169 = arith.constant 0 : i32
    %dma_start3A_170 = arith.constant 0 : i32
    %dma_start3A_171 = tpu.memref_slice %arg4[%dma_start3A_169, %dma_start3A_170] : memref<100000x768xf32, #tpu.memory_space<hbm>> -> memref<100000x768xf32, #tpu.memory_space<hbm>>
    tpu.enqueue_indirect_dma source(%dma_start3A_171 : memref<100000x768xf32, #tpu.memory_space<hbm>>) target(%dma_start3A_165 : memref<32x768xf32, #tpu.memory_space<vmem>>) offsets(%dma_start3A_168 : memref<32xi32, #tpu.memory_space<vmem>>) semaphore(%arg11 : memref<!tpu.dma_semaphore, #tpu.memory_space<semaphore_mem>>)
    %dma_wait3A_172 = arith.constant 1 : i32
    %dma_wait3A_173 = arith.constant 1 : i32
    %dma_wait3A_174 = arith.constant 0 : i32
    %dma_wait3A_175 = arith.constant 0 : i32
    %dma_wait3A_176 = tpu.memref_slice %arg9[%dma_wait3A_173, %dma_wait3A_174, %dma_wait3A_175] : memref<5x32x768xf32, #tpu.memory_space<vmem>> -> memref<1x32x768xf32, #tpu.memory_space<vmem>>
    %dma_wait3A_177 = tpu.memref_squeeze %dma_wait3A_176 : memref<1x32x768xf32, #tpu.memory_space<vmem>> -> memref<32x768xf32, #tpu.memory_space<vmem>>
    %dma_wait3A_178 = arith.constant 0 : i32
    %dma_wait3A_179 = tpu.memref_slice %arg7[%dma_wait3A_172, %dma_wait3A_178] : memref<8x32xi32, #tpu.memory_space<vmem>> -> memref<1x32xi32, #tpu.memory_space<vmem>>
    %dma_wait3A_180 = tpu.memref_squeeze %dma_wait3A_179 : memref<1x32xi32, #tpu.memory_space<vmem>> -> memref<32xi32, #tpu.memory_space<vmem>>
    %dma_wait3A_181 = arith.constant 0 : i32
    %dma_wait3A_182 = arith.constant 0 : i32
    %dma_wait3A_183 = tpu.memref_slice %arg4[%dma_wait3A_181, %dma_wait3A_182] : memref<100000x768xf32, #tpu.memory_space<hbm>> -> memref<100000x768xf32, #tpu.memory_space<hbm>>
    tpu.wait_indirect_dma semaphore(%arg12 : memref<!tpu.dma_semaphore, #tpu.memory_space<semaphore_mem>>) src(%dma_wait3A_183 : memref<100000x768xf32, #tpu.memory_space<hbm>>) dst(%dma_wait3A_177 : memref<32x768xf32, #tpu.memory_space<vmem>>)
    %add3A_184 = arith.constant 32 : i32
    %add3A_185 = arith.addi %add3A_37, %add3A_184 : i32
    %dma_start3A_186 = arith.constant 1 : i32
    %dma_start3A_187 = arith.constant 0 : i32
    %dma_start3A_188 = arith.constant 0 : i32
    %dma_start3A_189 = tpu.memref_slice %arg9[%dma_start3A_186, %dma_start3A_187, %dma_start3A_188] : memref<5x32x768xf32, #tpu.memory_space<vmem>> -> memref<1x32x768xf32, #tpu.memory_space<vmem>>
    %dma_start3A_190 = tpu.memref_squeeze %dma_start3A_189 : memref<1x32x768xf32, #tpu.memory_space<vmem>> -> memref<32x768xf32, #tpu.memory_space<vmem>>
    %dma_start3A_191 = arith.constant 0 : i32
    %dma_start3A_192 = tpu.memref_slice %arg6[%add3A_185, %dma_start3A_191] : memref<8448x768xf32, #tpu.memory_space<hbm>> -> memref<32x768xf32, #tpu.memory_space<hbm>>
    %dma_start3A_193 = arith.constant 0 : i32
    %dma_start3A_194 = tpu.memref_slice %arg6[%add3A_185, %dma_start3A_193] : memref<8448x768xf32, #tpu.memory_space<hbm>> -> memref<32x768xf32, #tpu.memory_space<hbm>>
    %dma_start3A_195 = arith.constant 0 : i32
    %dma_start3A_196 = arith.constant 0 : i32
    %dma_start3A_197 = tpu.memref_slice %arg9[%dma_start3A_186, %dma_start3A_195, %dma_start3A_196] : memref<5x32x768xf32, #tpu.memory_space<vmem>> -> memref<1x32x768xf32, #tpu.memory_space<vmem>>
    %dma_start3A_198 = tpu.memref_squeeze %dma_start3A_197 : memref<1x32x768xf32, #tpu.memory_space<vmem>> -> memref<32x768xf32, #tpu.memory_space<vmem>>
    tpu.enqueue_dma source(%dma_start3A_198 : memref<32x768xf32, #tpu.memory_space<vmem>>) target(%dma_start3A_194 : memref<32x768xf32, #tpu.memory_space<hbm>>) target_semaphore(%arg17 : memref<!tpu.dma_semaphore, #tpu.memory_space<semaphore_mem>>)
    %dma_wait3A_199 = arith.constant 1 : i32
    %dma_wait3A_200 = arith.constant 0 : i32
    %dma_wait3A_201 = arith.constant 0 : i32
    %dma_wait3A_202 = tpu.memref_slice %arg9[%dma_wait3A_199, %dma_wait3A_200, %dma_wait3A_201] : memref<5x32x768xf32, #tpu.memory_space<vmem>> -> memref<1x32x768xf32, #tpu.memory_space<vmem>>
    %dma_wait3A_203 = tpu.memref_squeeze %dma_wait3A_202 : memref<1x32x768xf32, #tpu.memory_space<vmem>> -> memref<32x768xf32, #tpu.memory_space<vmem>>
    %dma_wait3A_204 = arith.constant 0 : i32
    %dma_wait3A_205 = tpu.memref_slice %arg6[%add3A_185, %dma_wait3A_204] : memref<8448x768xf32, #tpu.memory_space<hbm>> -> memref<32x768xf32, #tpu.memory_space<hbm>>
    %dma_wait3A_206 = arith.constant 0 : i32
    %dma_wait3A_207 = tpu.memref_slice %arg6[%add3A_185, %dma_wait3A_206] : memref<8448x768xf32, #tpu.memory_space<hbm>> -> memref<32x768xf32, #tpu.memory_space<hbm>>
    %dma_wait3A_208 = arith.constant 0 : i32
    %dma_wait3A_209 = arith.constant 0 : i32
    %dma_wait3A_210 = tpu.memref_slice %arg9[%dma_wait3A_199, %dma_wait3A_208, %dma_wait3A_209] : memref<5x32x768xf32, #tpu.memory_space<vmem>> -> memref<1x32x768xf32, #tpu.memory_space<vmem>>
    %dma_wait3A_211 = tpu.memref_squeeze %dma_wait3A_210 : memref<1x32x768xf32, #tpu.memory_space<vmem>> -> memref<32x768xf32, #tpu.memory_space<vmem>>
    tpu.wait_dma2 semaphore(%arg17 : memref<!tpu.dma_semaphore, #tpu.memory_space<semaphore_mem>>) src(%dma_wait3A_211 : memref<32x768xf32, #tpu.memory_space<vmem>>) dst(%dma_wait3A_207 : memref<32x768xf32, #tpu.memory_space<hbm>>)
    %dma_start3A_212 = arith.constant 6 : i32
    %dma_start3A_213 = arith.constant 1 : i32
    %dma_start3A_214 = arith.constant 0 : i32
    %dma_start3A_215 = arith.constant 0 : i32
    %dma_start3A_216 = tpu.memref_slice %arg9[%dma_start3A_213, %dma_start3A_214, %dma_start3A_215] : memref<5x32x768xf32, #tpu.memory_space<vmem>> -> memref<1x32x768xf32, #tpu.memory_space<vmem>>
    %dma_start3A_217 = tpu.memref_squeeze %dma_start3A_216 : memref<1x32x768xf32, #tpu.memory_space<vmem>> -> memref<32x768xf32, #tpu.memory_space<vmem>>
    %dma_start3A_218 = arith.constant 0 : i32
    %dma_start3A_219 = tpu.memref_slice %arg7[%dma_start3A_212, %dma_start3A_218] : memref<8x32xi32, #tpu.memory_space<vmem>> -> memref<1x32xi32, #tpu.memory_space<vmem>>
    %dma_start3A_220 = tpu.memref_squeeze %dma_start3A_219 : memref<1x32xi32, #tpu.memory_space<vmem>> -> memref<32xi32, #tpu.memory_space<vmem>>
    %dma_start3A_221 = arith.constant 0 : i32
    %dma_start3A_222 = arith.constant 0 : i32
    %dma_start3A_223 = tpu.memref_slice %arg4[%dma_start3A_221, %dma_start3A_222] : memref<100000x768xf32, #tpu.memory_space<hbm>> -> memref<100000x768xf32, #tpu.memory_space<hbm>>
    tpu.enqueue_indirect_dma source(%dma_start3A_223 : memref<100000x768xf32, #tpu.memory_space<hbm>>) target(%dma_start3A_217 : memref<32x768xf32, #tpu.memory_space<vmem>>) offsets(%dma_start3A_220 : memref<32xi32, #tpu.memory_space<vmem>>) semaphore(%arg12 : memref<!tpu.dma_semaphore, #tpu.memory_space<semaphore_mem>>)
    %dma_wait3A_224 = arith.constant 2 : i32
    %dma_wait3A_225 = arith.constant 2 : i32
    %dma_wait3A_226 = arith.constant 0 : i32
    %dma_wait3A_227 = arith.constant 0 : i32
    %dma_wait3A_228 = tpu.memref_slice %arg9[%dma_wait3A_225, %dma_wait3A_226, %dma_wait3A_227] : memref<5x32x768xf32, #tpu.memory_space<vmem>> -> memref<1x32x768xf32, #tpu.memory_space<vmem>>
    %dma_wait3A_229 = tpu.memref_squeeze %dma_wait3A_228 : memref<1x32x768xf32, #tpu.memory_space<vmem>> -> memref<32x768xf32, #tpu.memory_space<vmem>>
    %dma_wait3A_230 = arith.constant 0 : i32
    %dma_wait3A_231 = tpu.memref_slice %arg7[%dma_wait3A_224, %dma_wait3A_230] : memref<8x32xi32, #tpu.memory_space<vmem>> -> memref<1x32xi32, #tpu.memory_space<vmem>>
    %dma_wait3A_232 = tpu.memref_squeeze %dma_wait3A_231 : memref<1x32xi32, #tpu.memory_space<vmem>> -> memref<32xi32, #tpu.memory_space<vmem>>
    %dma_wait3A_233 = arith.constant 0 : i32
    %dma_wait3A_234 = arith.constant 0 : i32
    %dma_wait3A_235 = tpu.memref_slice %arg4[%dma_wait3A_233, %dma_wait3A_234] : memref<100000x768xf32, #tpu.memory_space<hbm>> -> memref<100000x768xf32, #tpu.memory_space<hbm>>
    tpu.wait_indirect_dma semaphore(%arg13 : memref<!tpu.dma_semaphore, #tpu.memory_space<semaphore_mem>>) src(%dma_wait3A_235 : memref<100000x768xf32, #tpu.memory_space<hbm>>) dst(%dma_wait3A_229 : memref<32x768xf32, #tpu.memory_space<vmem>>)
    %add3A_236 = arith.constant 64 : i32
    %add3A_237 = arith.addi %add3A_37, %add3A_236 : i32
    %dma_start3A_238 = arith.constant 2 : i32
    %dma_start3A_239 = arith.constant 0 : i32
    %dma_start3A_240 = arith.constant 0 : i32
    %dma_start3A_241 = tpu.memref_slice %arg9[%dma_start3A_238, %dma_start3A_239, %dma_start3A_240] : memref<5x32x768xf32, #tpu.memory_space<vmem>> -> memref<1x32x768xf32, #tpu.memory_space<vmem>>
    %dma_start3A_242 = tpu.memref_squeeze %dma_start3A_241 : memref<1x32x768xf32, #tpu.memory_space<vmem>> -> memref<32x768xf32, #tpu.memory_space<vmem>>
    %dma_start3A_243 = arith.constant 0 : i32
    %dma_start3A_244 = tpu.memref_slice %arg6[%add3A_237, %dma_start3A_243] : memref<8448x768xf32, #tpu.memory_space<hbm>> -> memref<32x768xf32, #tpu.memory_space<hbm>>
    %dma_start3A_245 = arith.constant 0 : i32
    %dma_start3A_246 = tpu.memref_slice %arg6[%add3A_237, %dma_start3A_245] : memref<8448x768xf32, #tpu.memory_space<hbm>> -> memref<32x768xf32, #tpu.memory_space<hbm>>
    %dma_start3A_247 = arith.constant 0 : i32
    %dma_start3A_248 = arith.constant 0 : i32
    %dma_start3A_249 = tpu.memref_slice %arg9[%dma_start3A_238, %dma_start3A_247, %dma_start3A_248] : memref<5x32x768xf32, #tpu.memory_space<vmem>> -> memref<1x32x768xf32, #tpu.memory_space<vmem>>
    %dma_start3A_250 = tpu.memref_squeeze %dma_start3A_249 : memref<1x32x768xf32, #tpu.memory_space<vmem>> -> memref<32x768xf32, #tpu.memory_space<vmem>>
    tpu.enqueue_dma source(%dma_start3A_250 : memref<32x768xf32, #tpu.memory_space<vmem>>) target(%dma_start3A_246 : memref<32x768xf32, #tpu.memory_space<hbm>>) target_semaphore(%arg18 : memref<!tpu.dma_semaphore, #tpu.memory_space<semaphore_mem>>)
    %dma_wait3A_251 = arith.constant 2 : i32
    %dma_wait3A_252 = arith.constant 0 : i32
    %dma_wait3A_253 = arith.constant 0 : i32
    %dma_wait3A_254 = tpu.memref_slice %arg9[%dma_wait3A_251, %dma_wait3A_252, %dma_wait3A_253] : memref<5x32x768xf32, #tpu.memory_space<vmem>> -> memref<1x32x768xf32, #tpu.memory_space<vmem>>
    %dma_wait3A_255 = tpu.memref_squeeze %dma_wait3A_254 : memref<1x32x768xf32, #tpu.memory_space<vmem>> -> memref<32x768xf32, #tpu.memory_space<vmem>>
    %dma_wait3A_256 = arith.constant 0 : i32
    %dma_wait3A_257 = tpu.memref_slice %arg6[%add3A_237, %dma_wait3A_256] : memref<8448x768xf32, #tpu.memory_space<hbm>> -> memref<32x768xf32, #tpu.memory_space<hbm>>
    %dma_wait3A_258 = arith.constant 0 : i32
    %dma_wait3A_259 = tpu.memref_slice %arg6[%add3A_237, %dma_wait3A_258] : memref<8448x768xf32, #tpu.memory_space<hbm>> -> memref<32x768xf32, #tpu.memory_space<hbm>>
    %dma_wait3A_260 = arith.constant 0 : i32
    %dma_wait3A_261 = arith.constant 0 : i32
    %dma_wait3A_262 = tpu.memref_slice %arg9[%dma_wait3A_251, %dma_wait3A_260, %dma_wait3A_261] : memref<5x32x768xf32, #tpu.memory_space<vmem>> -> memref<1x32x768xf32, #tpu.memory_space<vmem>>
    %dma_wait3A_263 = tpu.memref_squeeze %dma_wait3A_262 : memref<1x32x768xf32, #tpu.memory_space<vmem>> -> memref<32x768xf32, #tpu.memory_space<vmem>>
    tpu.wait_dma2 semaphore(%arg18 : memref<!tpu.dma_semaphore, #tpu.memory_space<semaphore_mem>>) src(%dma_wait3A_263 : memref<32x768xf32, #tpu.memory_space<vmem>>) dst(%dma_wait3A_259 : memref<32x768xf32, #tpu.memory_space<hbm>>)
    %dma_start3A_264 = arith.constant 7 : i32
    %dma_start3A_265 = arith.constant 2 : i32
    %dma_start3A_266 = arith.constant 0 : i32
    %dma_start3A_267 = arith.constant 0 : i32
    %dma_start3A_268 = tpu.memref_slice %arg9[%dma_start3A_265, %dma_start3A_266, %dma_start3A_267] : memref<5x32x768xf32, #tpu.memory_space<vmem>> -> memref<1x32x768xf32, #tpu.memory_space<vmem>>
    %dma_start3A_269 = tpu.memref_squeeze %dma_start3A_268 : memref<1x32x768xf32, #tpu.memory_space<vmem>> -> memref<32x768xf32, #tpu.memory_space<vmem>>
    %dma_start3A_270 = arith.constant 0 : i32
    %dma_start3A_271 = tpu.memref_slice %arg7[%dma_start3A_264, %dma_start3A_270] : memref<8x32xi32, #tpu.memory_space<vmem>> -> memref<1x32xi32, #tpu.memory_space<vmem>>
    %dma_start3A_272 = tpu.memref_squeeze %dma_start3A_271 : memref<1x32xi32, #tpu.memory_space<vmem>> -> memref<32xi32, #tpu.memory_space<vmem>>
    %dma_start3A_273 = arith.constant 0 : i32
    %dma_start3A_274 = arith.constant 0 : i32
    %dma_start3A_275 = tpu.memref_slice %arg4[%dma_start3A_273, %dma_start3A_274] : memref<100000x768xf32, #tpu.memory_space<hbm>> -> memref<100000x768xf32, #tpu.memory_space<hbm>>
    tpu.enqueue_indirect_dma source(%dma_start3A_275 : memref<100000x768xf32, #tpu.memory_space<hbm>>) target(%dma_start3A_269 : memref<32x768xf32, #tpu.memory_space<vmem>>) offsets(%dma_start3A_272 : memref<32xi32, #tpu.memory_space<vmem>>) semaphore(%arg13 : memref<!tpu.dma_semaphore, #tpu.memory_space<semaphore_mem>>)
    %dma_wait3A_276 = arith.constant 3 : i32
    %dma_wait3A_277 = arith.constant 3 : i32
    %dma_wait3A_278 = arith.constant 0 : i32
    %dma_wait3A_279 = arith.constant 0 : i32
    %dma_wait3A_280 = tpu.memref_slice %arg9[%dma_wait3A_277, %dma_wait3A_278, %dma_wait3A_279] : memref<5x32x768xf32, #tpu.memory_space<vmem>> -> memref<1x32x768xf32, #tpu.memory_space<vmem>>
    %dma_wait3A_281 = tpu.memref_squeeze %dma_wait3A_280 : memref<1x32x768xf32, #tpu.memory_space<vmem>> -> memref<32x768xf32, #tpu.memory_space<vmem>>
    %dma_wait3A_282 = arith.constant 0 : i32
    %dma_wait3A_283 = tpu.memref_slice %arg7[%dma_wait3A_276, %dma_wait3A_282] : memref<8x32xi32, #tpu.memory_space<vmem>> -> memref<1x32xi32, #tpu.memory_space<vmem>>
    %dma_wait3A_284 = tpu.memref_squeeze %dma_wait3A_283 : memref<1x32xi32, #tpu.memory_space<vmem>> -> memref<32xi32, #tpu.memory_space<vmem>>
    %dma_wait3A_285 = arith.constant 0 : i32
    %dma_wait3A_286 = arith.constant 0 : i32
    %dma_wait3A_287 = tpu.memref_slice %arg4[%dma_wait3A_285, %dma_wait3A_286] : memref<100000x768xf32, #tpu.memory_space<hbm>> -> memref<100000x768xf32, #tpu.memory_space<hbm>>
    tpu.wait_indirect_dma semaphore(%arg14 : memref<!tpu.dma_semaphore, #tpu.memory_space<semaphore_mem>>) src(%dma_wait3A_287 : memref<100000x768xf32, #tpu.memory_space<hbm>>) dst(%dma_wait3A_281 : memref<32x768xf32, #tpu.memory_space<vmem>>)
    %add3A_288 = arith.constant 96 : i32
    %add3A_289 = arith.addi %add3A_37, %add3A_288 : i32
    %dma_start3A_290 = arith.constant 3 : i32
    %dma_start3A_291 = arith.constant 0 : i32
    %dma_start3A_292 = arith.constant 0 : i32
    %dma_start3A_293 = tpu.memref_slice %arg9[%dma_start3A_290, %dma_start3A_291, %dma_start3A_292] : memref<5x32x768xf32, #tpu.memory_space<vmem>> -> memref<1x32x768xf32, #tpu.memory_space<vmem>>
    %dma_start3A_294 = tpu.memref_squeeze %dma_start3A_293 : memref<1x32x768xf32, #tpu.memory_space<vmem>> -> memref<32x768xf32, #tpu.memory_space<vmem>>
    %dma_start3A_295 = arith.constant 0 : i32
    %dma_start3A_296 = tpu.memref_slice %arg6[%add3A_289, %dma_start3A_295] : memref<8448x768xf32, #tpu.memory_space<hbm>> -> memref<32x768xf32, #tpu.memory_space<hbm>>
    %dma_start3A_297 = arith.constant 0 : i32
    %dma_start3A_298 = tpu.memref_slice %arg6[%add3A_289, %dma_start3A_297] : memref<8448x768xf32, #tpu.memory_space<hbm>> -> memref<32x768xf32, #tpu.memory_space<hbm>>
    %dma_start3A_299 = arith.constant 0 : i32
    %dma_start3A_300 = arith.constant 0 : i32
    %dma_start3A_301 = tpu.memref_slice %arg9[%dma_start3A_290, %dma_start3A_299, %dma_start3A_300] : memref<5x32x768xf32, #tpu.memory_space<vmem>> -> memref<1x32x768xf32, #tpu.memory_space<vmem>>
    %dma_start3A_302 = tpu.memref_squeeze %dma_start3A_301 : memref<1x32x768xf32, #tpu.memory_space<vmem>> -> memref<32x768xf32, #tpu.memory_space<vmem>>
    tpu.enqueue_dma source(%dma_start3A_302 : memref<32x768xf32, #tpu.memory_space<vmem>>) target(%dma_start3A_298 : memref<32x768xf32, #tpu.memory_space<hbm>>) target_semaphore(%arg19 : memref<!tpu.dma_semaphore, #tpu.memory_space<semaphore_mem>>)
    %dma_wait3A_303 = arith.constant 4 : i32
    %dma_wait3A_304 = arith.constant 4 : i32
    %dma_wait3A_305 = arith.constant 0 : i32
    %dma_wait3A_306 = arith.constant 0 : i32
    %dma_wait3A_307 = tpu.memref_slice %arg9[%dma_wait3A_304, %dma_wait3A_305, %dma_wait3A_306] : memref<5x32x768xf32, #tpu.memory_space<vmem>> -> memref<1x32x768xf32, #tpu.memory_space<vmem>>
    %dma_wait3A_308 = tpu.memref_squeeze %dma_wait3A_307 : memref<1x32x768xf32, #tpu.memory_space<vmem>> -> memref<32x768xf32, #tpu.memory_space<vmem>>
    %dma_wait3A_309 = arith.constant 0 : i32
    %dma_wait3A_310 = tpu.memref_slice %arg7[%dma_wait3A_303, %dma_wait3A_309] : memref<8x32xi32, #tpu.memory_space<vmem>> -> memref<1x32xi32, #tpu.memory_space<vmem>>
    %dma_wait3A_311 = tpu.memref_squeeze %dma_wait3A_310 : memref<1x32xi32, #tpu.memory_space<vmem>> -> memref<32xi32, #tpu.memory_space<vmem>>
    %dma_wait3A_312 = arith.constant 0 : i32
    %dma_wait3A_313 = arith.constant 0 : i32
    %dma_wait3A_314 = tpu.memref_slice %arg4[%dma_wait3A_312, %dma_wait3A_313] : memref<100000x768xf32, #tpu.memory_space<hbm>> -> memref<100000x768xf32, #tpu.memory_space<hbm>>
    tpu.wait_indirect_dma semaphore(%arg15 : memref<!tpu.dma_semaphore, #tpu.memory_space<semaphore_mem>>) src(%dma_wait3A_314 : memref<100000x768xf32, #tpu.memory_space<hbm>>) dst(%dma_wait3A_308 : memref<32x768xf32, #tpu.memory_space<vmem>>)
    %add3A_315 = arith.constant 128 : i32
    %add3A_316 = arith.addi %add3A_37, %add3A_315 : i32
    %dma_start3A_317 = arith.constant 4 : i32
    %dma_start3A_318 = arith.constant 0 : i32
    %dma_start3A_319 = arith.constant 0 : i32
    %dma_start3A_320 = tpu.memref_slice %arg9[%dma_start3A_317, %dma_start3A_318, %dma_start3A_319] : memref<5x32x768xf32, #tpu.memory_space<vmem>> -> memref<1x32x768xf32, #tpu.memory_space<vmem>>
    %dma_start3A_321 = tpu.memref_squeeze %dma_start3A_320 : memref<1x32x768xf32, #tpu.memory_space<vmem>> -> memref<32x768xf32, #tpu.memory_space<vmem>>
    %dma_start3A_322 = arith.constant 0 : i32
    %dma_start3A_323 = tpu.memref_slice %arg6[%add3A_316, %dma_start3A_322] : memref<8448x768xf32, #tpu.memory_space<hbm>> -> memref<32x768xf32, #tpu.memory_space<hbm>>
    %dma_start3A_324 = arith.constant 0 : i32
    %dma_start3A_325 = tpu.memref_slice %arg6[%add3A_316, %dma_start3A_324] : memref<8448x768xf32, #tpu.memory_space<hbm>> -> memref<32x768xf32, #tpu.memory_space<hbm>>
    %dma_start3A_326 = arith.constant 0 : i32
    %dma_start3A_327 = arith.constant 0 : i32
    %dma_start3A_328 = tpu.memref_slice %arg9[%dma_start3A_317, %dma_start3A_326, %dma_start3A_327] : memref<5x32x768xf32, #tpu.memory_space<vmem>> -> memref<1x32x768xf32, #tpu.memory_space<vmem>>
    %dma_start3A_329 = tpu.memref_squeeze %dma_start3A_328 : memref<1x32x768xf32, #tpu.memory_space<vmem>> -> memref<32x768xf32, #tpu.memory_space<vmem>>
    tpu.enqueue_dma source(%dma_start3A_329 : memref<32x768xf32, #tpu.memory_space<vmem>>) target(%dma_start3A_325 : memref<32x768xf32, #tpu.memory_space<hbm>>) target_semaphore(%arg20 : memref<!tpu.dma_semaphore, #tpu.memory_space<semaphore_mem>>)
    %dma_wait3A_330 = arith.constant 5 : i32
    %dma_wait3A_331 = arith.constant 0 : i32
    %dma_wait3A_332 = arith.constant 0 : i32
    %dma_wait3A_333 = arith.constant 0 : i32
    %dma_wait3A_334 = tpu.memref_slice %arg9[%dma_wait3A_331, %dma_wait3A_332, %dma_wait3A_333] : memref<5x32x768xf32, #tpu.memory_space<vmem>> -> memref<1x32x768xf32, #tpu.memory_space<vmem>>
    %dma_wait3A_335 = tpu.memref_squeeze %dma_wait3A_334 : memref<1x32x768xf32, #tpu.memory_space<vmem>> -> memref<32x768xf32, #tpu.memory_space<vmem>>
    %dma_wait3A_336 = arith.constant 0 : i32
    %dma_wait3A_337 = tpu.memref_slice %arg7[%dma_wait3A_330, %dma_wait3A_336] : memref<8x32xi32, #tpu.memory_space<vmem>> -> memref<1x32xi32, #tpu.memory_space<vmem>>
    %dma_wait3A_338 = tpu.memref_squeeze %dma_wait3A_337 : memref<1x32xi32, #tpu.memory_space<vmem>> -> memref<32xi32, #tpu.memory_space<vmem>>
    %dma_wait3A_339 = arith.constant 0 : i32
    %dma_wait3A_340 = arith.constant 0 : i32
    %dma_wait3A_341 = tpu.memref_slice %arg4[%dma_wait3A_339, %dma_wait3A_340] : memref<100000x768xf32, #tpu.memory_space<hbm>> -> memref<100000x768xf32, #tpu.memory_space<hbm>>
    tpu.wait_indirect_dma semaphore(%arg11 : memref<!tpu.dma_semaphore, #tpu.memory_space<semaphore_mem>>) src(%dma_wait3A_341 : memref<100000x768xf32, #tpu.memory_space<hbm>>) dst(%dma_wait3A_335 : memref<32x768xf32, #tpu.memory_space<vmem>>)
    %add3A_342 = arith.constant 160 : i32
    %add3A_343 = arith.addi %add3A_37, %add3A_342 : i32
    %dma_start3A_344 = arith.constant 0 : i32
    %dma_start3A_345 = arith.constant 0 : i32
    %dma_start3A_346 = arith.constant 0 : i32
    %dma_start3A_347 = tpu.memref_slice %arg9[%dma_start3A_344, %dma_start3A_345, %dma_start3A_346] : memref<5x32x768xf32, #tpu.memory_space<vmem>> -> memref<1x32x768xf32, #tpu.memory_space<vmem>>
    %dma_start3A_348 = tpu.memref_squeeze %dma_start3A_347 : memref<1x32x768xf32, #tpu.memory_space<vmem>> -> memref<32x768xf32, #tpu.memory_space<vmem>>
    %dma_start3A_349 = arith.constant 0 : i32
    %dma_start3A_350 = tpu.memref_slice %arg6[%add3A_343, %dma_start3A_349] : memref<8448x768xf32, #tpu.memory_space<hbm>> -> memref<32x768xf32, #tpu.memory_space<hbm>>
    %dma_start3A_351 = arith.constant 0 : i32
    %dma_start3A_352 = tpu.memref_slice %arg6[%add3A_343, %dma_start3A_351] : memref<8448x768xf32, #tpu.memory_space<hbm>> -> memref<32x768xf32, #tpu.memory_space<hbm>>
    %dma_start3A_353 = arith.constant 0 : i32
    %dma_start3A_354 = arith.constant 0 : i32
    %dma_start3A_355 = tpu.memref_slice %arg9[%dma_start3A_344, %dma_start3A_353, %dma_start3A_354] : memref<5x32x768xf32, #tpu.memory_space<vmem>> -> memref<1x32x768xf32, #tpu.memory_space<vmem>>
    %dma_start3A_356 = tpu.memref_squeeze %dma_start3A_355 : memref<1x32x768xf32, #tpu.memory_space<vmem>> -> memref<32x768xf32, #tpu.memory_space<vmem>>
    tpu.enqueue_dma source(%dma_start3A_356 : memref<32x768xf32, #tpu.memory_space<vmem>>) target(%dma_start3A_352 : memref<32x768xf32, #tpu.memory_space<hbm>>) target_semaphore(%arg16 : memref<!tpu.dma_semaphore, #tpu.memory_space<semaphore_mem>>)
    %dma_wait3A_357 = arith.constant 6 : i32
    %dma_wait3A_358 = arith.constant 1 : i32
    %dma_wait3A_359 = arith.constant 0 : i32
    %dma_wait3A_360 = arith.constant 0 : i32
    %dma_wait3A_361 = tpu.memref_slice %arg9[%dma_wait3A_358, %dma_wait3A_359, %dma_wait3A_360] : memref<5x32x768xf32, #tpu.memory_space<vmem>> -> memref<1x32x768xf32, #tpu.memory_space<vmem>>
    %dma_wait3A_362 = tpu.memref_squeeze %dma_wait3A_361 : memref<1x32x768xf32, #tpu.memory_space<vmem>> -> memref<32x768xf32, #tpu.memory_space<vmem>>
    %dma_wait3A_363 = arith.constant 0 : i32
    %dma_wait3A_364 = tpu.memref_slice %arg7[%dma_wait3A_357, %dma_wait3A_363] : memref<8x32xi32, #tpu.memory_space<vmem>> -> memref<1x32xi32, #tpu.memory_space<vmem>>
    %dma_wait3A_365 = tpu.memref_squeeze %dma_wait3A_364 : memref<1x32xi32, #tpu.memory_space<vmem>> -> memref<32xi32, #tpu.memory_space<vmem>>
    %dma_wait3A_366 = arith.constant 0 : i32
    %dma_wait3A_367 = arith.constant 0 : i32
    %dma_wait3A_368 = tpu.memref_slice %arg4[%dma_wait3A_366, %dma_wait3A_367] : memref<100000x768xf32, #tpu.memory_space<hbm>> -> memref<100000x768xf32, #tpu.memory_space<hbm>>
    tpu.wait_indirect_dma semaphore(%arg12 : memref<!tpu.dma_semaphore, #tpu.memory_space<semaphore_mem>>) src(%dma_wait3A_368 : memref<100000x768xf32, #tpu.memory_space<hbm>>) dst(%dma_wait3A_362 : memref<32x768xf32, #tpu.memory_space<vmem>>)
    %add3A_369 = arith.constant 192 : i32
    %add3A_370 = arith.addi %add3A_37, %add3A_369 : i32
    %dma_start3A_371 = arith.constant 1 : i32
    %dma_start3A_372 = arith.constant 0 : i32
    %dma_start3A_373 = arith.constant 0 : i32
    %dma_start3A_374 = tpu.memref_slice %arg9[%dma_start3A_371, %dma_start3A_372, %dma_start3A_373] : memref<5x32x768xf32, #tpu.memory_space<vmem>> -> memref<1x32x768xf32, #tpu.memory_space<vmem>>
    %dma_start3A_375 = tpu.memref_squeeze %dma_start3A_374 : memref<1x32x768xf32, #tpu.memory_space<vmem>> -> memref<32x768xf32, #tpu.memory_space<vmem>>
    %dma_start3A_376 = arith.constant 0 : i32
    %dma_start3A_377 = tpu.memref_slice %arg6[%add3A_370, %dma_start3A_376] : memref<8448x768xf32, #tpu.memory_space<hbm>> -> memref<32x768xf32, #tpu.memory_space<hbm>>
    %dma_start3A_378 = arith.constant 0 : i32
    %dma_start3A_379 = tpu.memref_slice %arg6[%add3A_370, %dma_start3A_378] : memref<8448x768xf32, #tpu.memory_space<hbm>> -> memref<32x768xf32, #tpu.memory_space<hbm>>
    %dma_start3A_380 = arith.constant 0 : i32
    %dma_start3A_381 = arith.constant 0 : i32
    %dma_start3A_382 = tpu.memref_slice %arg9[%dma_start3A_371, %dma_start3A_380, %dma_start3A_381] : memref<5x32x768xf32, #tpu.memory_space<vmem>> -> memref<1x32x768xf32, #tpu.memory_space<vmem>>
    %dma_start3A_383 = tpu.memref_squeeze %dma_start3A_382 : memref<1x32x768xf32, #tpu.memory_space<vmem>> -> memref<32x768xf32, #tpu.memory_space<vmem>>
    tpu.enqueue_dma source(%dma_start3A_383 : memref<32x768xf32, #tpu.memory_space<vmem>>) target(%dma_start3A_379 : memref<32x768xf32, #tpu.memory_space<hbm>>) target_semaphore(%arg17 : memref<!tpu.dma_semaphore, #tpu.memory_space<semaphore_mem>>)
    %dma_wait3A_384 = arith.constant 7 : i32
    %dma_wait3A_385 = arith.constant 2 : i32
    %dma_wait3A_386 = arith.constant 0 : i32
    %dma_wait3A_387 = arith.constant 0 : i32
    %dma_wait3A_388 = tpu.memref_slice %arg9[%dma_wait3A_385, %dma_wait3A_386, %dma_wait3A_387] : memref<5x32x768xf32, #tpu.memory_space<vmem>> -> memref<1x32x768xf32, #tpu.memory_space<vmem>>
    %dma_wait3A_389 = tpu.memref_squeeze %dma_wait3A_388 : memref<1x32x768xf32, #tpu.memory_space<vmem>> -> memref<32x768xf32, #tpu.memory_space<vmem>>
    %dma_wait3A_390 = arith.constant 0 : i32
    %dma_wait3A_391 = tpu.memref_slice %arg7[%dma_wait3A_384, %dma_wait3A_390] : memref<8x32xi32, #tpu.memory_space<vmem>> -> memref<1x32xi32, #tpu.memory_space<vmem>>
    %dma_wait3A_392 = tpu.memref_squeeze %dma_wait3A_391 : memref<1x32xi32, #tpu.memory_space<vmem>> -> memref<32xi32, #tpu.memory_space<vmem>>
    %dma_wait3A_393 = arith.constant 0 : i32
    %dma_wait3A_394 = arith.constant 0 : i32
    %dma_wait3A_395 = tpu.memref_slice %arg4[%dma_wait3A_393, %dma_wait3A_394] : memref<100000x768xf32, #tpu.memory_space<hbm>> -> memref<100000x768xf32, #tpu.memory_space<hbm>>
    tpu.wait_indirect_dma semaphore(%arg13 : memref<!tpu.dma_semaphore, #tpu.memory_space<semaphore_mem>>) src(%dma_wait3A_395 : memref<100000x768xf32, #tpu.memory_space<hbm>>) dst(%dma_wait3A_389 : memref<32x768xf32, #tpu.memory_space<vmem>>)
    %add3A_396 = arith.constant 224 : i32
    %add3A_397 = arith.addi %add3A_37, %add3A_396 : i32
    %dma_start3A_398 = arith.constant 2 : i32
    %dma_start3A_399 = arith.constant 0 : i32
    %dma_start3A_400 = arith.constant 0 : i32
    %dma_start3A_401 = tpu.memref_slice %arg9[%dma_start3A_398, %dma_start3A_399, %dma_start3A_400] : memref<5x32x768xf32, #tpu.memory_space<vmem>> -> memref<1x32x768xf32, #tpu.memory_space<vmem>>
    %dma_start3A_402 = tpu.memref_squeeze %dma_start3A_401 : memref<1x32x768xf32, #tpu.memory_space<vmem>> -> memref<32x768xf32, #tpu.memory_space<vmem>>
    %dma_start3A_403 = arith.constant 0 : i32
    %dma_start3A_404 = tpu.memref_slice %arg6[%add3A_397, %dma_start3A_403] : memref<8448x768xf32, #tpu.memory_space<hbm>> -> memref<32x768xf32, #tpu.memory_space<hbm>>
    %dma_start3A_405 = arith.constant 0 : i32
    %dma_start3A_406 = tpu.memref_slice %arg6[%add3A_397, %dma_start3A_405] : memref<8448x768xf32, #tpu.memory_space<hbm>> -> memref<32x768xf32, #tpu.memory_space<hbm>>
    %dma_start3A_407 = arith.constant 0 : i32
    %dma_start3A_408 = arith.constant 0 : i32
    %dma_start3A_409 = tpu.memref_slice %arg9[%dma_start3A_398, %dma_start3A_407, %dma_start3A_408] : memref<5x32x768xf32, #tpu.memory_space<vmem>> -> memref<1x32x768xf32, #tpu.memory_space<vmem>>
    %dma_start3A_410 = tpu.memref_squeeze %dma_start3A_409 : memref<1x32x768xf32, #tpu.memory_space<vmem>> -> memref<32x768xf32, #tpu.memory_space<vmem>>
    tpu.enqueue_dma source(%dma_start3A_410 : memref<32x768xf32, #tpu.memory_space<vmem>>) target(%dma_start3A_406 : memref<32x768xf32, #tpu.memory_space<hbm>>) target_semaphore(%arg18 : memref<!tpu.dma_semaphore, #tpu.memory_space<semaphore_mem>>)
    %dma_wait3A_411 = arith.constant 0 : i32
    %dma_wait3A_412 = tpu.memref_slice %arg6[%add3A_42, %dma_wait3A_411] : memref<8448x768xf32, #tpu.memory_space<hbm>> -> memref<8x768xf32, #tpu.memory_space<hbm>>
    %dma_wait3A_413 = arith.constant 0 : i32
    %dma_wait3A_414 = tpu.memref_slice %arg6[%add3A_42, %dma_wait3A_413] : memref<8448x768xf32, #tpu.memory_space<hbm>> -> memref<8x768xf32, #tpu.memory_space<hbm>>
    tpu.wait_dma2 semaphore(%arg21 : memref<!tpu.dma_semaphore, #tpu.memory_space<semaphore_mem>>) src(%arg10 : memref<8x768xf32, #tpu.memory_space<vmem>>) dst(%dma_wait3A_414 : memref<8x768xf32, #tpu.memory_space<hbm>>)
    %dma_wait3A_415 = arith.constant 3 : i32
    %dma_wait3A_416 = arith.constant 0 : i32
    %dma_wait3A_417 = arith.constant 0 : i32
    %dma_wait3A_418 = tpu.memref_slice %arg9[%dma_wait3A_415, %dma_wait3A_416, %dma_wait3A_417] : memref<5x32x768xf32, #tpu.memory_space<vmem>> -> memref<1x32x768xf32, #tpu.memory_space<vmem>>
    %dma_wait3A_419 = tpu.memref_squeeze %dma_wait3A_418 : memref<1x32x768xf32, #tpu.memory_space<vmem>> -> memref<32x768xf32, #tpu.memory_space<vmem>>
    %dma_wait3A_420 = arith.constant 0 : i32
    %dma_wait3A_421 = tpu.memref_slice %arg6[%add3A_289, %dma_wait3A_420] : memref<8448x768xf32, #tpu.memory_space<hbm>> -> memref<32x768xf32, #tpu.memory_space<hbm>>
    %dma_wait3A_422 = arith.constant 0 : i32
    %dma_wait3A_423 = tpu.memref_slice %arg6[%add3A_289, %dma_wait3A_422] : memref<8448x768xf32, #tpu.memory_space<hbm>> -> memref<32x768xf32, #tpu.memory_space<hbm>>
    %dma_wait3A_424 = arith.constant 0 : i32
    %dma_wait3A_425 = arith.constant 0 : i32
    %dma_wait3A_426 = tpu.memref_slice %arg9[%dma_wait3A_415, %dma_wait3A_424, %dma_wait3A_425] : memref<5x32x768xf32, #tpu.memory_space<vmem>> -> memref<1x32x768xf32, #tpu.memory_space<vmem>>
    %dma_wait3A_427 = tpu.memref_squeeze %dma_wait3A_426 : memref<1x32x768xf32, #tpu.memory_space<vmem>> -> memref<32x768xf32, #tpu.memory_space<vmem>>
    tpu.wait_dma2 semaphore(%arg19 : memref<!tpu.dma_semaphore, #tpu.memory_space<semaphore_mem>>) src(%dma_wait3A_427 : memref<32x768xf32, #tpu.memory_space<vmem>>) dst(%dma_wait3A_423 : memref<32x768xf32, #tpu.memory_space<hbm>>)
    %dma_wait3A_428 = arith.constant 4 : i32
    %dma_wait3A_429 = arith.constant 0 : i32
    %dma_wait3A_430 = arith.constant 0 : i32
    %dma_wait3A_431 = tpu.memref_slice %arg9[%dma_wait3A_428, %dma_wait3A_429, %dma_wait3A_430] : memref<5x32x768xf32, #tpu.memory_space<vmem>> -> memref<1x32x768xf32, #tpu.memory_space<vmem>>
    %dma_wait3A_432 = tpu.memref_squeeze %dma_wait3A_431 : memref<1x32x768xf32, #tpu.memory_space<vmem>> -> memref<32x768xf32, #tpu.memory_space<vmem>>
    %dma_wait3A_433 = arith.constant 0 : i32
    %dma_wait3A_434 = tpu.memref_slice %arg6[%add3A_316, %dma_wait3A_433] : memref<8448x768xf32, #tpu.memory_space<hbm>> -> memref<32x768xf32, #tpu.memory_space<hbm>>
    %dma_wait3A_435 = arith.constant 0 : i32
    %dma_wait3A_436 = tpu.memref_slice %arg6[%add3A_316, %dma_wait3A_435] : memref<8448x768xf32, #tpu.memory_space<hbm>> -> memref<32x768xf32, #tpu.memory_space<hbm>>
    %dma_wait3A_437 = arith.constant 0 : i32
    %dma_wait3A_438 = arith.constant 0 : i32
    %dma_wait3A_439 = tpu.memref_slice %arg9[%dma_wait3A_428, %dma_wait3A_437, %dma_wait3A_438] : memref<5x32x768xf32, #tpu.memory_space<vmem>> -> memref<1x32x768xf32, #tpu.memory_space<vmem>>
    %dma_wait3A_440 = tpu.memref_squeeze %dma_wait3A_439 : memref<1x32x768xf32, #tpu.memory_space<vmem>> -> memref<32x768xf32, #tpu.memory_space<vmem>>
    tpu.wait_dma2 semaphore(%arg20 : memref<!tpu.dma_semaphore, #tpu.memory_space<semaphore_mem>>) src(%dma_wait3A_440 : memref<32x768xf32, #tpu.memory_space<vmem>>) dst(%dma_wait3A_436 : memref<32x768xf32, #tpu.memory_space<hbm>>)
    %dma_wait3A_441 = arith.constant 0 : i32
    %dma_wait3A_442 = arith.constant 0 : i32
    %dma_wait3A_443 = arith.constant 0 : i32
    %dma_wait3A_444 = tpu.memref_slice %arg9[%dma_wait3A_441, %dma_wait3A_442, %dma_wait3A_443] : memref<5x32x768xf32, #tpu.memory_space<vmem>> -> memref<1x32x768xf32, #tpu.memory_space<vmem>>
    %dma_wait3A_445 = tpu.memref_squeeze %dma_wait3A_444 : memref<1x32x768xf32, #tpu.memory_space<vmem>> -> memref<32x768xf32, #tpu.memory_space<vmem>>
    %dma_wait3A_446 = arith.constant 0 : i32
    %dma_wait3A_447 = tpu.memref_slice %arg6[%add3A_343, %dma_wait3A_446] : memref<8448x768xf32, #tpu.memory_space<hbm>> -> memref<32x768xf32, #tpu.memory_space<hbm>>
    %dma_wait3A_448 = arith.constant 0 : i32
    %dma_wait3A_449 = tpu.memref_slice %arg6[%add3A_343, %dma_wait3A_448] : memref<8448x768xf32, #tpu.memory_space<hbm>> -> memref<32x768xf32, #tpu.memory_space<hbm>>
    %dma_wait3A_450 = arith.constant 0 : i32
    %dma_wait3A_451 = arith.constant 0 : i32
    %dma_wait3A_452 = tpu.memref_slice %arg9[%dma_wait3A_441, %dma_wait3A_450, %dma_wait3A_451] : memref<5x32x768xf32, #tpu.memory_space<vmem>> -> memref<1x32x768xf32, #tpu.memory_space<vmem>>
    %dma_wait3A_453 = tpu.memref_squeeze %dma_wait3A_452 : memref<1x32x768xf32, #tpu.memory_space<vmem>> -> memref<32x768xf32, #tpu.memory_space<vmem>>
    tpu.wait_dma2 semaphore(%arg16 : memref<!tpu.dma_semaphore, #tpu.memory_space<semaphore_mem>>) src(%dma_wait3A_453 : memref<32x768xf32, #tpu.memory_space<vmem>>) dst(%dma_wait3A_449 : memref<32x768xf32, #tpu.memory_space<hbm>>)
    %dma_wait3A_454 = arith.constant 1 : i32
    %dma_wait3A_455 = arith.constant 0 : i32
    %dma_wait3A_456 = arith.constant 0 : i32
    %dma_wait3A_457 = tpu.memref_slice %arg9[%dma_wait3A_454, %dma_wait3A_455, %dma_wait3A_456] : memref<5x32x768xf32, #tpu.memory_space<vmem>> -> memref<1x32x768xf32, #tpu.memory_space<vmem>>
    %dma_wait3A_458 = tpu.memref_squeeze %dma_wait3A_457 : memref<1x32x768xf32, #tpu.memory_space<vmem>> -> memref<32x768xf32, #tpu.memory_space<vmem>>
    %dma_wait3A_459 = arith.constant 0 : i32
    %dma_wait3A_460 = tpu.memref_slice %arg6[%add3A_370, %dma_wait3A_459] : memref<8448x768xf32, #tpu.memory_space<hbm>> -> memref<32x768xf32, #tpu.memory_space<hbm>>
    %dma_wait3A_461 = arith.constant 0 : i32
    %dma_wait3A_462 = tpu.memref_slice %arg6[%add3A_370, %dma_wait3A_461] : memref<8448x768xf32, #tpu.memory_space<hbm>> -> memref<32x768xf32, #tpu.memory_space<hbm>>
    %dma_wait3A_463 = arith.constant 0 : i32
    %dma_wait3A_464 = arith.constant 0 : i32
    %dma_wait3A_465 = tpu.memref_slice %arg9[%dma_wait3A_454, %dma_wait3A_463, %dma_wait3A_464] : memref<5x32x768xf32, #tpu.memory_space<vmem>> -> memref<1x32x768xf32, #tpu.memory_space<vmem>>
    %dma_wait3A_466 = tpu.memref_squeeze %dma_wait3A_465 : memref<1x32x768xf32, #tpu.memory_space<vmem>> -> memref<32x768xf32, #tpu.memory_space<vmem>>
    tpu.wait_dma2 semaphore(%arg17 : memref<!tpu.dma_semaphore, #tpu.memory_space<semaphore_mem>>) src(%dma_wait3A_466 : memref<32x768xf32, #tpu.memory_space<vmem>>) dst(%dma_wait3A_462 : memref<32x768xf32, #tpu.memory_space<hbm>>)
    %dma_wait3A_467 = arith.constant 2 : i32
    %dma_wait3A_468 = arith.constant 0 : i32
    %dma_wait3A_469 = arith.constant 0 : i32
    %dma_wait3A_470 = tpu.memref_slice %arg9[%dma_wait3A_467, %dma_wait3A_468, %dma_wait3A_469] : memref<5x32x768xf32, #tpu.memory_space<vmem>> -> memref<1x32x768xf32, #tpu.memory_space<vmem>>
    %dma_wait3A_471 = tpu.memref_squeeze %dma_wait3A_470 : memref<1x32x768xf32, #tpu.memory_space<vmem>> -> memref<32x768xf32, #tpu.memory_space<vmem>>
    %dma_wait3A_472 = arith.constant 0 : i32
    %dma_wait3A_473 = tpu.memref_slice %arg6[%add3A_397, %dma_wait3A_472] : memref<8448x768xf32, #tpu.memory_space<hbm>> -> memref<32x768xf32, #tpu.memory_space<hbm>>
    %dma_wait3A_474 = arith.constant 0 : i32
    %dma_wait3A_475 = tpu.memref_slice %arg6[%add3A_397, %dma_wait3A_474] : memref<8448x768xf32, #tpu.memory_space<hbm>> -> memref<32x768xf32, #tpu.memory_space<hbm>>
    %dma_wait3A_476 = arith.constant 0 : i32
    %dma_wait3A_477 = arith.constant 0 : i32
    %dma_wait3A_478 = tpu.memref_slice %arg9[%dma_wait3A_467, %dma_wait3A_476, %dma_wait3A_477] : memref<5x32x768xf32, #tpu.memory_space<vmem>> -> memref<1x32x768xf32, #tpu.memory_space<vmem>>
    %dma_wait3A_479 = tpu.memref_squeeze %dma_wait3A_478 : memref<1x32x768xf32, #tpu.memory_space<vmem>> -> memref<32x768xf32, #tpu.memory_space<vmem>>
    tpu.wait_dma2 semaphore(%arg18 : memref<!tpu.dma_semaphore, #tpu.memory_space<semaphore_mem>>) src(%dma_wait3A_479 : memref<32x768xf32, #tpu.memory_space<vmem>>) dst(%dma_wait3A_475 : memref<32x768xf32, #tpu.memory_space<hbm>>)
    return
  }
}

</mosaic_0001>

<sc_bundles>
// kernel: kernel.3.cloned.1.call-start
scs
__scs_entry_jumppad:
0x0: {  	(pc) =	sbr.rel $0x88, $3  }
0x1: {  	(tag) =	ssettag $0x0;
	lr =	simm.s32 $0x1  }
0x2: {  	[smem:$0x3F9E] =	sst lr;
	_ =	strace $0xD0000000  }
0x3: {  	_ = 	snop  }
0x4: {  	_ = 	snop  }
0x5: {  	_ = 	snop  }
0x6: {  	_ = 	snop  }
0x7: {  	_ = 	snop  }
__scs_overlays_trampoline_lowered:
0x8: {  	[smem:$0x3FAD] =	sst s0  }
0x9: {  	[smem:$0x3FAE] =	sst s1  }
0xa: {  	[smem:$0x3FAF] =	sst s2  }
0xb: {  	[smem:$0x3FB0] =	sst s3  }
0xc: {  	[smem:$0x3FB1] =	sst s4  }
0xd: {  	[smem:$0x3FB2] =	sst s5  }
0xe: {  	[smem:$0x3FB3] =	sst s6  }
0xf: {  	[smem:$0x3FB4] =	sst s7  }
0x10: {  	[smem:$0x3FB5] =	sst s8  }
0x11: {  	[smem:$0x3FB6] =	sst s9;
	s0 =	simm.s32 @!p0 $0x0  }
0x12: {  	s1 =	sld [smem:$0x3F9C];
	s0 =	simm.s32 @p0 $0x1  }
0x13: {  	[smem:$0x3FB7] =	sst s0;
	s0 =	simm.s32 @!p1 $0x0  }
0x14: {  	s2 =	sld [smem:$0x3F9B];
	s0 =	simm.s32 @p1 $0x1  }
0x15: {  	[smem:$0x3FB8] =	sst s0;
	s0 =	simm.s32 @!p2 $0x0  }
0x16: {  	s3 =	sld [smem:$0x3FDB];
	s0 =	simm.s32 @p2 $0x1  }
0x17: {  	s4 =	simm.s32 $0x1BF5;
	[smem:$0x3FBA] =	sst s0  }
0x18: {  	s0 =	sld [smem:$0x3F9D];
	_ =	swait.ge [sflag:s4], $0x0  }
0x19: {  	s7 =	sld [smem:$0x3F9E]  }
0x1a: {  	s8 =	sadd.s32 $0xFFFFE003, lr  }
0x1b: {  	s9 =	sadd.s32 $0xFFFFFEF7, lr;
	s5 =	simm.s32 $0xFFFFFFFF;
	p2 =	slt.u32 s8, $0xFFFFF086  }
0x1c: {  	p1 =	slt.u32 s9, $0xF7A;
	s5 =	simm.s32 @!p2 $0x0  }
0x1d: {  	s5 =	simm.s32 @p1 $0x1;
	p0 =	seq.s32 s7, s2  }
0x1e: {  	s7 =	smul.u32 @!p0 $0xF7A, s2;
	p2 =	seq.s32 @!p0 s5, $0x0  }
0x1f: {  	s9 =	smul.u32 $0xF7A, s1;
	s8 =	simm.s32 @!p0 $0x1BF5;
	p2 =	por !p2, p0  }
0x20: {  	[sflag:s8] =	ssyncset.s32 @!p0 $0xFFFFF086;
	s6 =	sadd.s32 @!p0 s3, s7;
	s7 =	simm.s32 @!p0 $0x108  }
0x21: {  	s3 =	sadd.s32 s3, s9;
	s6 =	sadd.s32 @!p0 $0x88, s6;
	s7 =	simm.s32 @p2 $0x1082  }
0x22: {  	[simem:s7], [sflag:s8] =	dma.local @!p0 [hbm:s6], $0xF7A  }
0x23: {  	s9 =	sor.u32 $0xD0000000, s2;
	s6 =	simm.s32 $0x108;
	_ =	swait.ge @!p0 [sflag:s8], $0x0  }
0x24: {  	s3 =	sadd.s32 $0x88, s3;
	s6 =	simm.s32 @!p1 $0x1082;
	[sflag:s4] =	ssyncset.s32 $0xFFFFF086  }
0x25: {  	[simem:s6], [sflag:s4] =	dma.local [hbm:s3], $0xF7A  }
0x26: {  	[smem:$0x3F9E] =	sst s1;
	(tag) =	ssettag s2;
	_ =	strace s9  }
0x27: {  	s1 =	sld [smem:$0x3FAE]  }
0x28: {  	s2 =	sld [smem:$0x3FAF]  }
0x29: {  	s4 =	sld [smem:$0x3FB1]  }
0x2a: {  	p0 =	seq.s32 s5, $0x0;
	s5 =	sld [smem:$0x3FB2]  }
0x2b: {  	s6 =	sld [smem:$0x3FB3]  }
0x2c: {  	s7 =	sld [smem:$0x3FB4]  }
0x2d: {  	s3 =	simm.s32 $0x108;
	s8 =	sld [smem:$0x3FB5]  }
0x2e: {  	s3 =	simm.s32 @!p0 $0x1082;
	s9 =	sld [smem:$0x3FB6]  }
0x2f: {  	lr =	sadd.s32 s0, s3;
	s0 =	sld [smem:$0x3FAD]  }
0x30: {  	s3 =	sld [smem:$0x3FB0]  }
0x31: {  	[smem:$0x3FB9] =	sst s10  }
0x32: {  	s10 =	sld [smem:$0x3FB7];
	_ =	sdelay $0x3  }
0x33: {  	p0 =	seq.s32 s10, $0x1;
	s10 =	sld [smem:$0x3FB9];
	_ =	sdelay $0x3  }
0x34: {  	[smem:$0x3FB9] =	sst s10  }
0x35: {  	s10 =	sld [smem:$0x3FB8];
	_ =	sdelay $0x3  }
0x36: {  	p1 =	seq.s32 s10, $0x1;
	s10 =	sld [smem:$0x3FB9];
	_ =	sdelay $0x3  }
0x37: {  	[smem:$0x3FB9] =	sst s10  }
0x38: {  	s10 =	sld [smem:$0x3FBA]  }
0x39: {  	_ = 	snop;
	(pc) =	sbr.ind lr, $3  }
0x3a: {  	_ = 	snop  }
0x3b: {  	_ = 	snop  }
0x3c: {  	p2 =	seq.s32 s10, $0x1;
	s10 =	sld [smem:$0x3FB9]  }
0x3d: {  	_ =	shalt  }
0x3e: {  	_ =	shalt  }
0x3f: {  	_ =	shalt  }
0x40: {  	_ =	shalt  }
0x41: {  	_ =	shalt  }
0x42: {  	_ =	shalt  }
0x43: {  	_ =	shalt  }
0x44: {  	_ =	shalt  }
0x45: {  	_ =	shalt  }
0x46: {  	_ =	shalt  }
0x47: {  	_ =	shalt  }
0x48: {  	_ =	shalt  }
0x49: {  	_ =	shalt  }
0x4a: {  	_ =	shalt  }
0x4b: {  	_ =	shalt  }
0x4c: {  	_ =	shalt  }
0x4d: {  	_ =	shalt  }
0x4e: {  	_ =	shalt  }
0x4f: {  	_ =	shalt  }
0x50: {  	_ =	shalt  }
0x51: {  	_ =	shalt  }
0x52: {  	_ =	shalt  }
0x53: {  	_ =	shalt  }
0x54: {  	_ =	shalt  }
0x55: {  	_ =	shalt  }
0x56: {  	_ =	shalt  }
0x57: {  	_ =	shalt  }
0x58: {  	_ =	shalt  }
0x59: {  	_ =	shalt  }
0x5a: {  	_ =	shalt  }
0x5b: {  	_ =	shalt  }
0x5c: {  	_ =	shalt  }
0x5d: {  	_ =	shalt  }
0x5e: {  	_ =	shalt  }
0x5f: {  	_ =	shalt  }
0x60: {  	_ =	shalt  }
0x61: {  	_ =	shalt  }
0x62: {  	_ =	shalt  }
0x63: {  	_ =	shalt  }
0x64: {  	_ =	shalt  }
0x65: {  	_ =	shalt  }
0x66: {  	_ =	shalt  }
0x67: {  	_ =	shalt  }
0x68: {  	_ =	shalt  }
0x69: {  	_ =	shalt  }
0x6a: {  	_ =	shalt  }
0x6b: {  	_ =	shalt  }
0x6c: {  	_ =	shalt  }
0x6d: {  	_ =	shalt  }
0x6e: {  	_ =	shalt  }
0x6f: {  	_ =	shalt  }
0x70: {  	_ =	shalt  }
0x71: {  	_ =	shalt  }
0x72: {  	_ =	shalt  }
0x73: {  	_ =	shalt  }
0x74: {  	_ =	shalt  }
0x75: {  	_ =	shalt  }
0x76: {  	_ =	shalt  }
0x77: {  	_ =	shalt  }
0x78: {  	_ =	shalt  }
0x79: {  	_ =	shalt  }
0x7a: {  	_ =	shalt  }
0x7b: {  	_ =	shalt  }
0x7c: {  	_ =	shalt  }
0x7d: {  	_ =	shalt  }
0x7e: {  	_ =	shalt  }
0x7f: {  	_ =	shalt  }
0x80: {  	_ =	shalt  }
0x81: {  	_ =	shalt  }
0x82: {  	_ =	shalt  }
0x83: {  	_ =	shalt  }
0x84: {  	_ =	shalt  }
0x85: {  	_ =	shalt  }
0x86: {  	_ =	shalt  }
0x87: {  	_ =	shalt  }
.Lfunc_end0:
.L_simem_size_0:
called_computation_lowered:
.L_overlay_start_0:
0x88: {  	s2 =	sld [smem:$0x3FD9]  }
0x89: {  	s3 =	sld [smem:$0x3FFE];
	_ =	sdelay $0x1  }
0x8a: {  	s1 =	srdreg.scid  }
0x8b: {  	s0 =	sand.u32 $0x1, s1  }
0x8c: {  	s17 =	sshll.u32 s0, $0xA;
	s2 =	sadd.s32 s3, s2  }
0x8d: {  	s2 =	sadd.s32 s2, s17  }
0x8e: {  	[smem:$0x3FC5] =	sst s2  }
0x8f: {  	_ = 	snop  }
0x90: {  	s2 =	sld [smem:$0x3FC8]  }
0x91: {  	s18 =	sld [smem:$0x3FC7]  }
0x92: {  	s4 =	sld [smem:$0x3FD0];
	(tm) =	ssettm $0x1  }
0x93: {  	s5 =	sld [smem:$0x3FFB];
	_ =	sdelay $0x3  }
0x94: {  	_ =	strace s5  }
0x95: {  	s5 =	sld [smem:$0x3FFC];
	_ =	sdelay $0x3  }
0x96: {  	_ =	strace s5  }
0x97: {  	s5 =	sld [smem:$0x3FFD];
	_ =	sdelay $0x3  }
0x98: {  	_ =	strace s5  }
0x99: {  	_ =	strace $0x8FFFFFFF  }
0x9a: {  	s19 =	sld [smem:$0x3FDB];
	_ =	sdelay $0x1  }
0x9b: {  	s6 =	simm.s32 $_scs_section_size  }
0x9c: {  	s7 =	simm.s32 $_size__tile_overlayer_lowered;
	s8 =	simm.s32 $_tile_overlayer_lowered  }
0x9d: {  	s22 =	simm.s32 $0x1BFF;
	s21 =	sshll.u32 s8, $0x1;
	s5 =	sadd.s32 s6, s19  }
0x9e: {  	s9 =	simm.s32 $0x0;
	s20 =	sshll.u32 s7, $0x1;
	s7 =	sadd.s32 s21, s5  }
0x9f: {  	[timem:s9], [sflag:s22] =	dma.local [hbm:s7], s20  }
0xa0: {  	_ =	swait.ge [sflag:s22], s20  }
0xa1: {  	s6 =	ssub.s32 $0x0, s20;
	[sflag:s22] =	ssyncset.done $0x0  }
0xa2: {  	[sflag:s22] =	ssyncadd.s32 s6;
	_ =	sdelay $0x1  }
0xa3: {  	s23 =	simm.s32 $0x1B8B  }
0xa4: {  	_ =	swait.ge [sflag:s23], $0x1  }
0xa5: {  	[sflag:s23] =	ssyncset.done $0x0  }
0xa6: {  	s25 =	simm.s32 $0x1B8E;
	s24 =	sld [smem:$0x3FFE];
	[sflag:s23] =	ssyncadd.s32 $0xFFFFFFFF  }
0xa7: {  	s26 =	simm.s32 $execute0_lowered;
	[smem:$0x3FD2] =	sst s25  }
0xa8: {  	s7 =	sshll.u32 s26, $0x1;
	_ =	strace $0x80000046;
	[dreg:$0x1] =	wrdreg $0xFFFFFFFF  }
0xa9: {  	s28 =	simm.s32 $_size_execute0_lowered;
	s5 =	sadd.s32 s5, s7;
	[dreg:$0x0] =	wrdreg $0x0  }
0xaa: {  	s7 =	sshll.u32 s28, $0x1;
	[dreg:$0x2] =	wrdreg s5  }
0xab: {  	[dreg:$0x3] =	wrdreg s7  }
0xac: {  	[dreg:$0x4] =	wrdreg $0xC0  }
0xad: {  	_ =	task [dreg:s9], $0x5FFFF  }
0xae: {  	[dreg:$0x1] =	wrdreg $0xFFFFFFFF  }
0xaf: {  	[dreg:$0x0] =	wrdreg $0x60  }
0xb0: {  	[dreg:$0x2] =	wrdreg s24  }
0xb1: {  	[dreg:$0x3] =	wrdreg s2  }
0xb2: {  	[dreg:$0x4] =	wrdreg s18  }
0xb3: {  	[dreg:$0x5] =	wrdreg s4  }
0xb4: {  	[dreg:$0x6] =	wrdreg $0x9  }
0xb5: {  	_ =	task.clear_ibuf [dreg:s9], $0x7FFFF;
	_ =	strace $0x90000046  }
0xb6: {  	s29 =	simm.s32 $0x9;
	_ =	strace $0x80000048  }
0xb7: {  	_ =	swait.ge [sflag:s29], $0x1  }
0xb8: {  	[sflag:s29] =	ssyncadd.s32 $0xFFFFFFFF  }
0xb9: {  	_ =	strace $0x90000048  }
0xba: {  	_ =	sfence  }
0xbb: {  	s30 =	sld [smem:$0x0];
	_ =	sdelay $0x2  }
0xbc: {  	s31 =	sshll.u32 s1, $0xD;
	s1 =	sshrl.u32 s1, $0x2  }
0xbd: {  	s3 =	sand.u32 $0x4000, s31;
	s1 =	sadd.s32 s1, s30  }
0xbe: {  	s0 =	sor.u32 s3, s0;
	s1 =	sshll.u32 s1, $0x11  }
0xbf: {  	s0 =	sor.u32 s1, s0  }
0xc0: {  	s0 =	sadd.s32 $0x8F2B, s0  }
0xc1: {  	[sflag:s0] =	ssyncadd.remote.s32 $0x1  }
0xc2: {  	_ =	sfence.sel $0xFFFF  }
0xc3: {  	[dreg:$0x0] =	wrdreg $0xFFFFFFFF;
	(pc) =	sbr.abs _section_cstart, $3  }
0xc4: {  	[dreg:$0x1] =	wrdreg $0xFFFFFFFF  }
0xc5: {  	_ =	task.clear_ibuf [dreg:s9], $0x2FFFF;
	_ =	strace $0x9FFFFFFF  }
0xc6: {  	(tm) =	ssettm $0x7FFFFFFF  }
0xc7: {  	_ =	shalt  }
tec
execute0_lowered:
.L_overlay_start_1:
0x0: {  	(tag) =	ssettag $0x1  }
0x1: {  	s0 =	rddreg [dreg:$0x0]  }
0x2: {  	s1 =	rddreg [dreg:$0x1]  }
0x3: {  	s10 =	rddreg [dreg:$0x2]  }
0x4: {  	s2 =	rddreg [dreg:$0x3]  }
0x5: {  	s4 =	simm.s32 $0x0;
	s3 =	srdreg.scid;
	s6 =	stileid.u32  }
0x6: {  	s23 =	simm.s32 $0x400;
	[smem:$0x7FF] =	sst s4;
	s12 =	sadd.s32 $0x100, s10  }
0x7: {  	s14 =	sadd.s32 $0x200, s10;
	_ =	strace $0x80000047;
	[dreg:$0x7] =	wrdreg s12  }
0x8: {  	s24 =	simm.s32 $0x12C80;
	s25 =	simm.s32 $0x13480;
	[dreg:$0x8] =	wrdreg s14  }
0x9: {  	s29 =	simm.s32 $0x6;
	s3 =	sand.u32 $0x1, s3;
	[dreg:$0x11] =	wrdreg s23  }
0xa: {  	s5 =	sshll.u32 s6, $0x1;
	s6 =	sshrl.u32 s6, $0x2;
	[dreg:$0x12] =	wrdreg s24  }
0xb: {  	s10 =	simm.s32 $0x16480;
	s5 =	sor.u32 s3, s5;
	[dreg:$0x13] =	wrdreg s25  }
0xc: {  	s7 =	sshll.u32 s6, $0x8;
	[dreg:$0x19] =	wrdreg s10;
	s12 =	simm.s32 $0x17480  }
0xd: {  	s6 =	smul.u32 $0x840, s6;
	s14 =	simm.s32 $0x18C80;
	[dreg:$0x1b] =	wrdreg s12  }
0xe: {  	s23 =	simm.s32 $0x1D480;
	s24 =	simm.s32 $0x1DC80;
	[dreg:$0x1d] =	wrdreg s14  }
0xf: {  	s25 =	simm.s32 $0x1EC80;
	s7 =	sadd.s32 s7, s0;
	[smem:$0x7FA] =	sst s23  }
0x10: {  	s8 =	sand.u32 $0x7, s5;
	s5 =	sshll.u32 s5, $0x7;
	[smem:$0x7FB] =	sst s24  }
0x11: {  	[smem:$0x7FC] =	sst s25;
	s9 =	sshll.u32 s8, $0x8;
	s7 =	sadd.s32 s8, s7  }
0x12: {  	s0 =	sadd.s32 s5, s0;
	s11 =	sshrl.u32 s6, $0x3;
	s7 =	sadd.s32 $0x1400, s7  }
0x13: {  	s26 =	sadd.s32 s9, s6;
	s0 =	sadd.s32 $0x400, s0;
	[dreg:$0x5] =	wrdreg s7  }
0x14: {  	s6 =	simm.s32 $0x14480;
	s5 =	sshrl.u32 s26, $0x3;
	[dreg:$0x6] =	wrdreg s0  }
0x15: {  	s30 =	simm.s32 $0x2;
	[dreg:$0x15] =	wrdreg s6;
	s9 =	sadd.s32 $0x8, s5  }
0x16: {  	s5 =	sor.u32 s8, s11;
	s8 =	simm.s32 $0x15480;
	s13 =	smul.u32 $0x1800, s9  }
0x17: {  	s11 =	simm.s32 $0x16C80;
	s5 =	smul.u32 $0x300, s5;
	[dreg:$0x17] =	wrdreg s8  }
0x18: {  	s0 =	smul.u32 $0x300, s9;
	s9 =	simm.s32 $0x15C80;
	[dreg:$0x1a] =	wrdreg s11  }
0x19: {  	s31 =	simm.s32 $0x7;
	[dreg:$0x18] =	wrdreg s9;
	s5 =	sadd.s32 s2, s5  }
0x1a: {  	s7 =	sshrl.u32 s13, $0x3;
	s13 =	simm.s32 $0x17C80;
	[dreg:$0x9] =	wrdreg s5  }
0x1b: {  	s15 =	sadd.s32 s2, s7;
	s2 =	sadd.s32 s2, s0;
	[dreg:$0x1c] =	wrdreg s13  }
0x1c: {  	s28 =	simm.s32 $0xC480;
	s5 =	simm.s32 $0x13C80;
	[smem:$0x7F3] =	sst s2  }
0x1d: {  	s10 =	simm.s32 $0x1E480;
	s7 =	simm.s32 $0x14C80;
	[dreg:$0x14] =	wrdreg s5  }
0x1e: {  	s25 =	simm.s32 $0xB;
	s16 =	sadd.s32 $0xC00, s15;
	[dreg:$0x16] =	wrdreg s7  }
0x1f: {  	s23 =	simm.s32 $0x2480;
	s17 =	sadd.s32 $0x1800, s2;
	[dreg:$0xa] =	wrdreg s16  }
0x20: {  	s24 =	simm.s32 $0x2C80;
	s18 =	sadd.s32 $0x2400, s2;
	[dreg:$0xb] =	wrdreg s17  }
0x21: {  	s14 =	simm.s32 $0x4C80;
	s19 =	sadd.s32 $0x3000, s2;
	[dreg:$0xc] =	wrdreg s18  }
0x22: {  	s12 =	simm.s32 $0x5480;
	s20 =	sadd.s32 $0x3C00, s2;
	[dreg:$0xd] =	wrdreg s19  }
0x23: {  	s26 =	ssub.s32 $0x2, s3;
	s21 =	sadd.s32 $0x4800, s2;
	[dreg:$0xe] =	wrdreg s20  }
0x24: {  	s6 =	sadd.s32 $0x100, s1;
	s22 =	sadd.s32 $0x5400, s2;
	[dreg:$0xf] =	wrdreg s21  }
0x25: {  	s3 =	sshrl.u32 s26, $0x1;
	s15 =	simm.s32 $0x19480;
	[dreg:$0x10] =	wrdreg s22  }
0x26: {  	s2 =	ssub.s32 s26, s3;
	s26 =	simm.s32 $0x1F480;
	[dreg:$0x1e] =	wrdreg s15  }
0x27: {  	s11 =	simm.s32 $0x6480;
	s16 =	simm.s32 $0x19C80;
	[smem:$0x7FD] =	sst s26  }
0x28: {  	s9 =	simm.s32 $0x1;
	s17 =	simm.s32 $0x1A480;
	[dreg:$0x1f] =	wrdreg s16  }
0x29: {  	s0 =	simm.s32 $0x3;
	s18 =	simm.s32 $0x1AC80;
	[smem:$0x7F4] =	sst s17  }
0x2a: {  	s13 =	simm.s32 $0x5C80;
	s19 =	simm.s32 $0x1B480;
	[smem:$0x7F5] =	sst s18  }
0x2b: {  	s7 =	sadd.s32 $0x200, s1;
	s20 =	simm.s32 $0x1BC80;
	[smem:$0x7F6] =	sst s19  }
0x2c: {  	s3 =	simm.s32 $0x8;
	s21 =	simm.s32 $0x1C480;
	[smem:$0x7F7] =	sst s20  }
0x2d: {  	v2 =	vlaneseq.u32;
	s8 =	smax.u32 s2, $0x1;
	s22 =	simm.s32 $0x1CC80;
	[smem:$0x7F8] =	sst s21  }
0x2e: {  	vm0 =	vmmov $0xffff;
	v1 =	vshrl.u32 v2, $0x3;
	s26 =	simm.s32 $0x3C80;
	[smem:$0x7F9] =	sst s22;
	s22 =	simm.s32 $0x480  }
0x2f: {  	v0 =	vand.u32 $0x7, v2;
	v2 =	vor.u32 $0x8, v2;
	v1 =	vmul.u32 $0x8, v1;
	s19 =	simm.s32 $0xC80;
	s20 =	simm.s32 $0x1480;
	s21 =	simm.s32 $0x1C80  }
.LBB2_1:
0x30: {  	s15 =	rddreg [dreg:$0x5]  }
0x31: {  	s16 =	rddreg [dreg:$0x11]  }
0x32: {  	[tilespmem:s16], [sflag:$0xB] =	stream.linear.gather [hbm4b:s15+s4], $0x8, $0x38;
	[tilespmem:$0x1FC80] =	vst v63  }
0x33: {  	s17 =	rddreg [dreg:$0x6];
	s5 =	simm.s32 $0xC  }
0x34: {  	[tilespmem:s4], [sflag:$0xC] =	stream.linear.gather [hbm4b:s17+s4], $0x400, $0x38;
	[tilespmem:$0x1FC80] =	vst v63  }
0x35: {  	_ =	swait.ge [sflag:s5], $0x400  }
0x36: {  	[sflag:s5] =	ssyncset.done $0x0  }
0x37: {  	[sflag:s5] =	ssyncadd.s32 $0xFFFFFC00  }
0x38: {  	v3 =	vld [tilespmem:$0x0];
	_ =	sdelay $0x4  }
0x39: {  	v4 =	vshrl.u32 v3, $0x3  }
0x3a: {  	v4 =	vmul.u32 $0x30, v4  }
0x3b: {  	v3 =	vand.u32 $0x7, v3  }
0x3c: {  	v3 =	vor.u32 v3, v4  }
0x3d: {  	v4 =	vperm.xlane v3, v0;
	_ =	sdelay $0x1  }
0x3e: {  	v4 =	vadd.s32 v1, v4;
	_ =	sdelay $0x3  }
0x3f: {  	v3 =	vperm.xlane v3, v2  }
0x40: {  	[tilespmem:s22], [sflag:$0x1] =	stream.indirect_vreg.gather [hbm4b:s1+s4], $0x80, v4, vm0, $0xb8;
	[tilespmem:$0x1FC80] =	vst v63  }
0x41: {  	v3 =	vadd.s32 v1, v3  }
0x42: {  	[tilespmem:s19], [sflag:$0x1] =	stream.indirect_vreg.gather [hbm4b:s6+s4], $0x80, v4, vm0, $0xb8;
	[tilespmem:$0x1FC80] =	vst v63  }
0x43: {  	_ = 	snop  }
0x44: {  	[tilespmem:s20], [sflag:$0x1] =	stream.indirect_vreg.gather [hbm4b:s7+s4], $0x80, v4, vm0, $0xb8;
	[tilespmem:$0x1FC80] =	vst v63  }
0x45: {  	_ = 	snop  }
0x46: {  	[tilespmem:s21], [sflag:$0x1] =	stream.indirect_vreg.gather [hbm4b:s1+s4], $0x80, v3, vm0, $0xb8;
	[tilespmem:$0x1FC80] =	vst v63  }
0x47: {  	_ = 	snop  }
0x48: {  	[tilespmem:s23], [sflag:$0x1] =	stream.indirect_vreg.gather [hbm4b:s6+s4], $0x80, v3, vm0, $0xb8;
	[tilespmem:$0x1FC80] =	vst v63  }
0x49: {  	_ = 	snop  }
0x4a: {  	[tilespmem:s24], [sflag:$0x1] =	stream.indirect_vreg.gather [hbm4b:s7+s4], $0x80, v3, vm0, $0xb8;
	[tilespmem:$0x1FC80] =	vst v63  }
0x4b: {  	v3 =	vld [tilespmem:$0x10];
	_ =	sdelay $0x4  }
0x4c: {  	v48 =	vshrl.u32 v3, $0x3  }
0x4d: {  	v4 =	vmul.u32 $0x30, v48  }
0x4e: {  	v3 =	vand.u32 $0x7, v3  }
0x4f: {  	v3 =	vor.u32 v3, v4  }
0x50: {  	v4 =	vperm.xlane v3, v0;
	_ =	sdelay $0x1  }
0x51: {  	v4 =	vadd.s32 v1, v4;
	_ =	sdelay $0x3  }
0x52: {  	s5 =	simm.s32 $0x3480;
	v3 =	vperm.xlane v3, v2  }
0x53: {  	[tilespmem:s5], [sflag:$0x1] =	stream.indirect_vreg.gather [hbm4b:s1+s4], $0x80, v4, vm0, $0xb8;
	[tilespmem:$0x1FC80] =	vst v63  }
0x54: {  	v3 =	vadd.s32 v1, v3  }
0x55: {  	[tilespmem:s26], [sflag:$0x1] =	stream.indirect_vreg.gather [hbm4b:s6+s4], $0x80, v4, vm0, $0xb8;
	[tilespmem:$0x1FC80] =	vst v63  }
0x56: {  	s2 =	simm.s32 $0x4480  }
0x57: {  	[tilespmem:s2], [sflag:$0x1] =	stream.indirect_vreg.gather [hbm4b:s7+s4], $0x80, v4, vm0, $0xb8;
	[tilespmem:$0x1FC80] =	vst v63  }
0x58: {  	_ = 	snop  }
0x59: {  	[tilespmem:s14], [sflag:$0x1] =	stream.indirect_vreg.gather [hbm4b:s1+s4], $0x80, v3, vm0, $0xb8;
	[tilespmem:$0x1FC80] =	vst v63  }
0x5a: {  	_ = 	snop  }
0x5b: {  	[tilespmem:s12], [sflag:$0x1] =	stream.indirect_vreg.gather [hbm4b:s6+s4], $0x80, v3, vm0, $0xb8;
	[tilespmem:$0x1FC80] =	vst v63  }
0x5c: {  	_ = 	snop  }
0x5d: {  	[tilespmem:s13], [sflag:$0x1] =	stream.indirect_vreg.gather [hbm4b:s7+s4], $0x80, v3, vm0, $0xb8;
	[tilespmem:$0x1FC80] =	vst v63  }
0x5e: {  	v3 =	vld [tilespmem:$0x80];
	_ =	sdelay $0x4  }
0x5f: {  	v49 =	vshrl.u32 v3, $0x3  }
0x60: {  	v4 =	vmul.u32 $0x30, v49  }
0x61: {  	v3 =	vand.u32 $0x7, v3  }
0x62: {  	v3 =	vor.u32 v3, v4  }
0x63: {  	v4 =	vperm.xlane v3, v0;
	_ =	sdelay $0x1  }
0x64: {  	v4 =	vadd.s32 v1, v4;
	_ =	sdelay $0x3  }
0x65: {  	v3 =	vperm.xlane v3, v2  }
0x66: {  	[tilespmem:s11], [sflag:$0x2] =	stream.indirect_vreg.gather [hbm4b:s1+s4], $0x80, v4, vm0, $0xb8;
	[tilespmem:$0x1FC80] =	vst v63  }
0x67: {  	s15 =	simm.s32 $0x6C80;
	v3 =	vadd.s32 v1, v3  }
0x68: {  	[tilespmem:s15], [sflag:$0x2] =	stream.indirect_vreg.gather [hbm4b:s6+s4], $0x80, v4, vm0, $0xb8;
	[tilespmem:$0x1FC80] =	vst v63  }
0x69: {  	s16 =	simm.s32 $0x7480  }
0x6a: {  	[tilespmem:s16], [sflag:$0x2] =	stream.indirect_vreg.gather [hbm4b:s7+s4], $0x80, v4, vm0, $0xb8;
	[tilespmem:$0x1FC80] =	vst v63  }
0x6b: {  	s17 =	simm.s32 $0x7C80  }
0x6c: {  	[tilespmem:s17], [sflag:$0x2] =	stream.indirect_vreg.gather [hbm4b:s1+s4], $0x80, v3, vm0, $0xb8;
	[tilespmem:$0x1FC80] =	vst v63  }
0x6d: {  	s18 =	simm.s32 $0x8480  }
0x6e: {  	[tilespmem:s18], [sflag:$0x2] =	stream.indirect_vreg.gather [hbm4b:s6+s4], $0x80, v3, vm0, $0xb8;
	[tilespmem:$0x1FC80] =	vst v63  }
0x6f: {  	s15 =	simm.s32 $0x8C80  }
0x70: {  	[tilespmem:s15], [sflag:$0x2] =	stream.indirect_vreg.gather [hbm4b:s7+s4], $0x80, v3, vm0, $0xb8;
	[tilespmem:$0x1FC80] =	vst v63  }
0x71: {  	v3 =	vld [tilespmem:$0x90];
	_ =	sdelay $0x4  }
0x72: {  	v50 =	vshrl.u32 v3, $0x3  }
0x73: {  	v4 =	vmul.u32 $0x30, v50  }
0x74: {  	v3 =	vand.u32 $0x7, v3  }
0x75: {  	v3 =	vor.u32 v3, v4  }
0x76: {  	v4 =	vperm.xlane v3, v0;
	_ =	sdelay $0x1  }
0x77: {  	v4 =	vadd.s32 v1, v4;
	_ =	sdelay $0x3  }
0x78: {  	s16 =	simm.s32 $0x9480;
	v3 =	vperm.xlane v3, v2  }
0x79: {  	[tilespmem:s16], [sflag:$0x2] =	stream.indirect_vreg.gather [hbm4b:s1+s4], $0x80, v4, vm0, $0xb8;
	[tilespmem:$0x1FC80] =	vst v63  }
0x7a: {  	s17 =	simm.s32 $0x9C80;
	v3 =	vadd.s32 v1, v3  }
0x7b: {  	[tilespmem:s17], [sflag:$0x2] =	stream.indirect_vreg.gather [hbm4b:s6+s4], $0x80, v4, vm0, $0xb8;
	[tilespmem:$0x1FC80] =	vst v63  }
0x7c: {  	s18 =	simm.s32 $0xA480  }
0x7d: {  	[tilespmem:s18], [sflag:$0x2] =	stream.indirect_vreg.gather [hbm4b:s7+s4], $0x80, v4, vm0, $0xb8;
	[tilespmem:$0x1FC80] =	vst v63  }
0x7e: {  	s15 =	simm.s32 $0xAC80  }
0x7f: {  	[tilespmem:s15], [sflag:$0x2] =	stream.indirect_vreg.gather [hbm4b:s1+s4], $0x80, v3, vm0, $0xb8;
	[tilespmem:$0x1FC80] =	vst v63  }
0x80: {  	s16 =	simm.s32 $0xB480  }
0x81: {  	[tilespmem:s16], [sflag:$0x2] =	stream.indirect_vreg.gather [hbm4b:s6+s4], $0x80, v3, vm0, $0xb8;
	[tilespmem:$0x1FC80] =	vst v63  }
0x82: {  	s17 =	simm.s32 $0xBC80  }
0x83: {  	[tilespmem:s17], [sflag:$0x2] =	stream.indirect_vreg.gather [hbm4b:s7+s4], $0x80, v3, vm0, $0xb8;
	[tilespmem:$0x1FC80] =	vst v63  }
0x84: {  	v3 =	vld [tilespmem:$0x100];
	_ =	sdelay $0x4  }
0x85: {  	v51 =	vshrl.u32 v3, $0x3  }
0x86: {  	v4 =	vmul.u32 $0x30, v51  }
0x87: {  	v3 =	vand.u32 $0x7, v3  }
0x88: {  	v3 =	vor.u32 v3, v4  }
0x89: {  	v4 =	vperm.xlane v3, v0;
	_ =	sdelay $0x1  }
0x8a: {  	v4 =	vadd.s32 v1, v4;
	_ =	sdelay $0x3  }
0x8b: {  	v3 =	vperm.xlane v3, v2  }
0x8c: {  	[tilespmem:s28], [sflag:$0x3] =	stream.indirect_vreg.gather [hbm4b:s1+s4], $0x80, v4, vm0, $0xb8;
	[tilespmem:$0x1FC80] =	vst v63  }
0x8d: {  	s18 =	simm.s32 $0xCC80;
	v3 =	vadd.s32 v1, v3  }
0x8e: {  	[tilespmem:s18], [sflag:$0x3] =	stream.indirect_vreg.gather [hbm4b:s6+s4], $0x80, v4, vm0, $0xb8;
	[tilespmem:$0x1FC80] =	vst v63  }
0x8f: {  	s15 =	simm.s32 $0xD480  }
0x90: {  	[tilespmem:s15], [sflag:$0x3] =	stream.indirect_vreg.gather [hbm4b:s7+s4], $0x80, v4, vm0, $0xb8;
	[tilespmem:$0x1FC80] =	vst v63  }
0x91: {  	s16 =	simm.s32 $0xDC80  }
0x92: {  	[tilespmem:s16], [sflag:$0x3] =	stream.indirect_vreg.gather [hbm4b:s1+s4], $0x80, v3, vm0, $0xb8;
	[tilespmem:$0x1FC80] =	vst v63  }
0x93: {  	s17 =	simm.s32 $0xE480  }
0x94: {  	[tilespmem:s17], [sflag:$0x3] =	stream.indirect_vreg.gather [hbm4b:s6+s4], $0x80, v3, vm0, $0xb8;
	[tilespmem:$0x1FC80] =	vst v63  }
0x95: {  	s18 =	simm.s32 $0xEC80  }
0x96: {  	[tilespmem:s18], [sflag:$0x3] =	stream.indirect_vreg.gather [hbm4b:s7+s4], $0x80, v3, vm0, $0xb8;
	[tilespmem:$0x1FC80] =	vst v63  }
0x97: {  	v3 =	vld [tilespmem:$0x110];
	_ =	sdelay $0x4  }
0x98: {  	v52 =	vshrl.u32 v3, $0x3  }
0x99: {  	v4 =	vmul.u32 $0x30, v52  }
0x9a: {  	v3 =	vand.u32 $0x7, v3  }
0x9b: {  	v3 =	vor.u32 v3, v4  }
0x9c: {  	v4 =	vperm.xlane v3, v0;
	_ =	sdelay $0x1  }
0x9d: {  	v4 =	vadd.s32 v1, v4;
	_ =	sdelay $0x3  }
0x9e: {  	s15 =	simm.s32 $0xF480;
	v3 =	vperm.xlane v3, v2  }
0x9f: {  	[tilespmem:s15], [sflag:$0x3] =	stream.indirect_vreg.gather [hbm4b:s1+s4], $0x80, v4, vm0, $0xb8;
	[tilespmem:$0x1FC80] =	vst v63  }
0xa0: {  	s16 =	simm.s32 $0xFC80;
	v3 =	vadd.s32 v1, v3  }
0xa1: {  	[tilespmem:s16], [sflag:$0x3] =	stream.indirect_vreg.gather [hbm4b:s6+s4], $0x80, v4, vm0, $0xb8;
	[tilespmem:$0x1FC80] =	vst v63  }
0xa2: {  	s17 =	simm.s32 $0x10480  }
0xa3: {  	[tilespmem:s17], [sflag:$0x3] =	stream.indirect_vreg.gather [hbm4b:s7+s4], $0x80, v4, vm0, $0xb8;
	[tilespmem:$0x1FC80] =	vst v63  }
0xa4: {  	s18 =	simm.s32 $0x10C80  }
0xa5: {  	[tilespmem:s18], [sflag:$0x3] =	stream.indirect_vreg.gather [hbm4b:s1+s4], $0x80, v3, vm0, $0xb8;
	[tilespmem:$0x1FC80] =	vst v63  }
0xa6: {  	s15 =	simm.s32 $0x11480  }
0xa7: {  	[tilespmem:s15], [sflag:$0x3] =	stream.indirect_vreg.gather [hbm4b:s6+s4], $0x80, v3, vm0, $0xb8;
	[tilespmem:$0x1FC80] =	vst v63  }
0xa8: {  	s16 =	simm.s32 $0x11C80  }
0xa9: {  	[tilespmem:s16], [sflag:$0x3] =	stream.indirect_vreg.gather [hbm4b:s7+s4], $0x80, v3, vm0, $0xb8;
	[tilespmem:$0x1FC80] =	vst v63  }
0xaa: {  	v3 =	vld [tilespmem:$0x180];
	_ =	sdelay $0x4  }
0xab: {  	v53 =	vshrl.u32 v3, $0x3  }
0xac: {  	v4 =	vmul.u32 $0x30, v53  }
0xad: {  	v3 =	vand.u32 $0x7, v3  }
0xae: {  	v3 =	vor.u32 v3, v4  }
0xaf: {  	v4 =	vperm.xlane v3, v0;
	_ =	sdelay $0x1  }
0xb0: {  	v4 =	vadd.s32 v1, v4;
	_ =	sdelay $0x3  }
0xb1: {  	s18 =	simm.s32 $0x12480;
	v3 =	vperm.xlane v3, v2  }
0xb2: {  	[tilespmem:s18], [sflag:$0x4] =	stream.indirect_vreg.gather [hbm4b:s1+s4], $0x80, v4, vm0, $0xb8;
	[tilespmem:$0x1FC80] =	vst v63  }
0xb3: {  	s17 =	rddreg [dreg:$0x12];
	v3 =	vadd.s32 v1, v3  }
0xb4: {  	[tilespmem:s17], [sflag:$0x4] =	stream.indirect_vreg.gather [hbm4b:s6+s4], $0x80, v4, vm0, $0xb8;
	[tilespmem:$0x1FC80] =	vst v63  }
0xb5: {  	s2 =	rddreg [dreg:$0x13]  }
0xb6: {  	[tilespmem:s2], [sflag:$0x4] =	stream.indirect_vreg.gather [hbm4b:s7+s4], $0x80, v4, vm0, $0xb8;
	[tilespmem:$0x1FC80] =	vst v63  }
0xb7: {  	s17 =	rddreg [dreg:$0x14]  }
0xb8: {  	[tilespmem:s17], [sflag:$0x4] =	stream.indirect_vreg.gather [hbm4b:s1+s4], $0x80, v3, vm0, $0xb8;
	[tilespmem:$0x1FC80] =	vst v63  }
0xb9: {  	s18 =	rddreg [dreg:$0x15]  }
0xba: {  	[tilespmem:s18], [sflag:$0x4] =	stream.indirect_vreg.gather [hbm4b:s6+s4], $0x80, v3, vm0, $0xb8;
	[tilespmem:$0x1FC80] =	vst v63  }
0xbb: {  	s2 =	rddreg [dreg:$0x16]  }
0xbc: {  	[tilespmem:s2], [sflag:$0x4] =	stream.indirect_vreg.gather [hbm4b:s7+s4], $0x80, v3, vm0, $0xb8;
	[tilespmem:$0x1FC80] =	vst v63  }
0xbd: {  	v3 =	vld [tilespmem:$0x190];
	_ =	sdelay $0x4  }
0xbe: {  	v54 =	vshrl.u32 v3, $0x3  }
0xbf: {  	v4 =	vmul.u32 $0x30, v54  }
0xc0: {  	v3 =	vand.u32 $0x7, v3  }
0xc1: {  	v3 =	vor.u32 v3, v4  }
0xc2: {  	v4 =	vperm.xlane v3, v0;
	_ =	sdelay $0x1  }
0xc3: {  	v4 =	vadd.s32 v1, v4;
	_ =	sdelay $0x3  }
0xc4: {  	s17 =	rddreg [dreg:$0x17];
	v3 =	vperm.xlane v3, v2  }
0xc5: {  	[tilespmem:s17], [sflag:$0x4] =	stream.indirect_vreg.gather [hbm4b:s1+s4], $0x80, v4, vm0, $0xb8;
	[tilespmem:$0x1FC80] =	vst v63  }
0xc6: {  	s18 =	rddreg [dreg:$0x18];
	v3 =	vadd.s32 v1, v3  }
0xc7: {  	[tilespmem:s18], [sflag:$0x4] =	stream.indirect_vreg.gather [hbm4b:s6+s4], $0x80, v4, vm0, $0xb8;
	[tilespmem:$0x1FC80] =	vst v63  }
0xc8: {  	s2 =	rddreg [dreg:$0x19]  }
0xc9: {  	[tilespmem:s2], [sflag:$0x4] =	stream.indirect_vreg.gather [hbm4b:s7+s4], $0x80, v4, vm0, $0xb8;
	[tilespmem:$0x1FC80] =	vst v63  }
0xca: {  	s17 =	rddreg [dreg:$0x1a]  }
0xcb: {  	[tilespmem:s17], [sflag:$0x4] =	stream.indirect_vreg.gather [hbm4b:s1+s4], $0x80, v3, vm0, $0xb8;
	[tilespmem:$0x1FC80] =	vst v63  }
0xcc: {  	s18 =	rddreg [dreg:$0x1b]  }
0xcd: {  	[tilespmem:s18], [sflag:$0x4] =	stream.indirect_vreg.gather [hbm4b:s6+s4], $0x80, v3, vm0, $0xb8;
	[tilespmem:$0x1FC80] =	vst v63  }
0xce: {  	s2 =	rddreg [dreg:$0x1c]  }
0xcf: {  	[tilespmem:s2], [sflag:$0x4] =	stream.indirect_vreg.gather [hbm4b:s7+s4], $0x80, v3, vm0, $0xb8;
	[tilespmem:$0x1FC80] =	vst v63  }
0xd0: {  	v3 =	vld [tilespmem:$0x200];
	_ =	sdelay $0x4  }
0xd1: {  	v55 =	vshrl.u32 v3, $0x3  }
0xd2: {  	v4 =	vmul.u32 $0x30, v55  }
0xd3: {  	v3 =	vand.u32 $0x7, v3  }
0xd4: {  	v3 =	vor.u32 v3, v4  }
0xd5: {  	v4 =	vperm.xlane v3, v0;
	_ =	sdelay $0x1  }
0xd6: {  	v4 =	vadd.s32 v1, v4;
	_ =	sdelay $0x3  }
0xd7: {  	s16 =	rddreg [dreg:$0x1d];
	s2 =	simm.s32 $0x18480;
	v3 =	vperm.xlane v3, v2  }
0xd8: {  	[tilespmem:s2], [sflag:$0x5] =	stream.indirect_vreg.gather [hbm4b:s1+s4], $0x80, v4, vm0, $0xb8;
	[tilespmem:$0x1FC80] =	vst v63  }
0xd9: {  	s17 =	rddreg [dreg:$0x1e];
	v3 =	vadd.s32 v1, v3  }
0xda: {  	[tilespmem:s16], [sflag:$0x5] =	stream.indirect_vreg.gather [hbm4b:s6+s4], $0x80, v4, vm0, $0xb8;
	[tilespmem:$0x1FC80] =	vst v63  }
0xdb: {  	s18 =	rddreg [dreg:$0x1f]  }
0xdc: {  	[tilespmem:s17], [sflag:$0x5] =	stream.indirect_vreg.gather [hbm4b:s7+s4], $0x80, v4, vm0, $0xb8;
	[tilespmem:$0x1FC80] =	vst v63  }
0xdd: {  	s17 =	sld [smem:$0x7F4]  }
0xde: {  	[tilespmem:s18], [sflag:$0x5] =	stream.indirect_vreg.gather [hbm4b:s1+s4], $0x80, v3, vm0, $0xb8;
	[tilespmem:$0x1FC80] =	vst v63  }
0xdf: {  	s18 =	sld [smem:$0x7F5]  }
0xe0: {  	[tilespmem:s17], [sflag:$0x5] =	stream.indirect_vreg.gather [hbm4b:s6+s4], $0x80, v3, vm0, $0xb8;
	[tilespmem:$0x1FC80] =	vst v63  }
0xe1: {  	_ = 	snop  }
0xe2: {  	[tilespmem:s18], [sflag:$0x5] =	stream.indirect_vreg.gather [hbm4b:s7+s4], $0x80, v3, vm0, $0xb8;
	[tilespmem:$0x1FC80] =	vst v63  }
0xe3: {  	v3 =	vld [tilespmem:$0x210];
	_ =	sdelay $0x4  }
0xe4: {  	v56 =	vshrl.u32 v3, $0x3  }
0xe5: {  	v4 =	vmul.u32 $0x30, v56  }
0xe6: {  	v3 =	vand.u32 $0x7, v3  }
0xe7: {  	v3 =	vor.u32 v3, v4  }
0xe8: {  	v4 =	vperm.xlane v3, v0;
	_ =	sdelay $0x1  }
0xe9: {  	v4 =	vadd.s32 v1, v4;
	_ =	sdelay $0x1  }
0xea: {  	s17 =	sld [smem:$0x7F6];
	_ =	sdelay $0x1  }
0xeb: {  	s18 =	sld [smem:$0x7F7];
	v3 =	vperm.xlane v3, v2  }
0xec: {  	[tilespmem:s17], [sflag:$0x5] =	stream.indirect_vreg.gather [hbm4b:s1+s4], $0x80, v4, vm0, $0xb8;
	[tilespmem:$0x1FC80] =	vst v63  }
0xed: {  	v3 =	vadd.s32 v1, v3;
	s17 =	sld [smem:$0x7F8]  }
0xee: {  	[tilespmem:s18], [sflag:$0x5] =	stream.indirect_vreg.gather [hbm4b:s6+s4], $0x80, v4, vm0, $0xb8;
	[tilespmem:$0x1FC80] =	vst v63  }
0xef: {  	s18 =	sld [smem:$0x7F9]  }
0xf0: {  	[tilespmem:s17], [sflag:$0x5] =	stream.indirect_vreg.gather [hbm4b:s7+s4], $0x80, v4, vm0, $0xb8;
	[tilespmem:$0x1FC80] =	vst v63  }
0xf1: {  	s17 =	sld [smem:$0x7FA]  }
0xf2: {  	[tilespmem:s18], [sflag:$0x5] =	stream.indirect_vreg.gather [hbm4b:s1+s4], $0x80, v3, vm0, $0xb8;
	[tilespmem:$0x1FC80] =	vst v63  }
0xf3: {  	s18 =	sld [smem:$0x7FB]  }
0xf4: {  	[tilespmem:s17], [sflag:$0x5] =	stream.indirect_vreg.gather [hbm4b:s6+s4], $0x80, v3, vm0, $0xb8;
	[tilespmem:$0x1FC80] =	vst v63  }
0xf5: {  	_ = 	snop  }
0xf6: {  	[tilespmem:s18], [sflag:$0x5] =	stream.indirect_vreg.gather [hbm4b:s7+s4], $0x80, v3, vm0, $0xb8;
	[tilespmem:$0x1FC80] =	vst v63  }
0xf7: {  	_ =	swait.ge [sflag:s25], $0x8  }
0xf8: {  	[sflag:s25] =	ssyncset.done $0x0  }
0xf9: {  	[sflag:s25] =	ssyncadd.s32 $0xFFFFFFF8  }
0xfa: {  	v3 =	vld.msk [tilespmem:$0x400], $0xff;
	_ =	sdelay $0x4  }
0xfb: {  	v57 =	vshrl.u32 v3, $0x3  }
0xfc: {  	v4 =	vmul.u32 $0x30, v57  }
0xfd: {  	v3 =	vand.u32 $0x7, v3  }
0xfe: {  	v3 =	vor.u32 v3, v4  }
0xff: {  	v3 =	vperm.xlane v3, v0;
	_ =	sdelay $0x1  }
0x100: {  	v3 =	vadd.s32 v1, v3;
	_ =	sdelay $0x3  }
0x101: {  	s16 =	rddreg [dreg:$0x2]  }
0x102: {  	[tilespmem:s10], [sflag:$0xB] =	stream.indirect_vreg.gather [hbm4b:s16+s4], $0x80, v3, vm0, $0xb8;
	[tilespmem:$0x1FC80] =	vst v63  }
0x103: {  	s16 =	sld [smem:$0x7FC]  }
0x104: {  	s15 =	rddreg [dreg:$0x7]  }
0x105: {  	s18 =	sld [smem:$0x7FD]  }
0x106: {  	[tilespmem:s16], [sflag:$0xB] =	stream.indirect_vreg.gather [hbm4b:s15+s4], $0x80, v3, vm0, $0xb8;
	[tilespmem:$0x1FC80] =	vst v63  }
0x107: {  	s17 =	rddreg [dreg:$0x8]  }
0x108: {  	[tilespmem:s18], [sflag:$0xB] =	stream.indirect_vreg.gather [hbm4b:s17+s4], $0x80, v3, vm0, $0xb8;
	[tilespmem:$0x1FC80] =	vst v63  }
0x109: {  	_ =	swait.ge [sflag:s9], $0x6000  }
0x10a: {  	s17 =	sld [smem:$0x7F3]  }
0x10b: {  	[sflag:s9] =	ssyncset.done $0x0  }
0x10c: {  	[sflag:s9] =	ssyncadd.s32 $0xFFFFA000  }
0x10d: {  	[hbm4b:s17+s4] =	stream.linear.scatter [tilespmem:s22], [sflag:$0x6], $0x6000, $0x38;
	[tilespmem:$0x1FC80] =	vst v63  }
0x10e: {  	_ =	swait.ge [sflag:s25], $0x1800  }
0x10f: {  	[sflag:s25] =	ssyncset.done $0x0  }
0x110: {  	s18 =	rddreg [dreg:$0x9];
	[sflag:s25] =	ssyncadd.s32 $0xFFFFE800  }
0x111: {  	[hbm4b:s18+s4] =	stream.linear.scatter [tilespmem:s10], [sflag:$0xB], $0x1800, $0x38;
	[tilespmem:$0x1FC80] =	vst v63  }
0x112: {  	_ =	swait.ge [sflag:s29], $0x6000  }
0x113: {  	[sflag:s29] =	ssyncset.done $0x0  }
0x114: {  	[sflag:s29] =	ssyncadd.s32 $0xFFFFA000  }
0x115: {  	v3 =	vld [tilespmem:$0x280];
	_ =	sdelay $0x4  }
0x116: {  	v58 =	vshrl.u32 v3, $0x3  }
0x117: {  	v4 =	vmul.u32 $0x30, v58  }
0x118: {  	v3 =	vand.u32 $0x7, v3  }
0x119: {  	v3 =	vor.u32 v3, v4  }
0x11a: {  	v4 =	vperm.xlane v3, v0;
	_ =	sdelay $0x1  }
0x11b: {  	v4 =	vadd.s32 v1, v4;
	_ =	sdelay $0x3  }
0x11c: {  	v3 =	vperm.xlane v3, v2  }
0x11d: {  	[tilespmem:s22], [sflag:$0x1] =	stream.indirect_vreg.gather [hbm4b:s1+s4], $0x80, v4, vm0, $0xb8;
	[tilespmem:$0x1FC80] =	vst v63  }
0x11e: {  	v3 =	vadd.s32 v1, v3  }
0x11f: {  	[tilespmem:s19], [sflag:$0x1] =	stream.indirect_vreg.gather [hbm4b:s6+s4], $0x80, v4, vm0, $0xb8;
	[tilespmem:$0x1FC80] =	vst v63  }
0x120: {  	_ = 	snop  }
0x121: {  	[tilespmem:s20], [sflag:$0x1] =	stream.indirect_vreg.gather [hbm4b:s7+s4], $0x80, v4, vm0, $0xb8;
	[tilespmem:$0x1FC80] =	vst v63  }
0x122: {  	_ = 	snop  }
0x123: {  	[tilespmem:s21], [sflag:$0x1] =	stream.indirect_vreg.gather [hbm4b:s1+s4], $0x80, v3, vm0, $0xb8;
	[tilespmem:$0x1FC80] =	vst v63  }
0x124: {  	_ = 	snop  }
0x125: {  	[tilespmem:s23], [sflag:$0x1] =	stream.indirect_vreg.gather [hbm4b:s6+s4], $0x80, v3, vm0, $0xb8;
	[tilespmem:$0x1FC80] =	vst v63  }
0x126: {  	_ = 	snop  }
0x127: {  	[tilespmem:s24], [sflag:$0x1] =	stream.indirect_vreg.gather [hbm4b:s7+s4], $0x80, v3, vm0, $0xb8;
	[tilespmem:$0x1FC80] =	vst v63  }
0x128: {  	v3 =	vld [tilespmem:$0x290];
	_ =	sdelay $0x4  }
0x129: {  	v59 =	vshrl.u32 v3, $0x3  }
0x12a: {  	v4 =	vmul.u32 $0x30, v59  }
0x12b: {  	v3 =	vand.u32 $0x7, v3  }
0x12c: {  	v3 =	vor.u32 v3, v4  }
0x12d: {  	v4 =	vperm.xlane v3, v0;
	_ =	sdelay $0x1  }
0x12e: {  	v4 =	vadd.s32 v1, v4;
	_ =	sdelay $0x3  }
0x12f: {  	v3 =	vperm.xlane v3, v2  }
0x130: {  	[tilespmem:s5], [sflag:$0x1] =	stream.indirect_vreg.gather [hbm4b:s1+s4], $0x80, v4, vm0, $0xb8;
	[tilespmem:$0x1FC80] =	vst v63  }
0x131: {  	v3 =	vadd.s32 v1, v3  }
0x132: {  	[tilespmem:s26], [sflag:$0x1] =	stream.indirect_vreg.gather [hbm4b:s6+s4], $0x80, v4, vm0, $0xb8;
	[tilespmem:$0x1FC80] =	vst v63  }
0x133: {  	s16 =	simm.s32 $0x4480  }
0x134: {  	[tilespmem:s16], [sflag:$0x1] =	stream.indirect_vreg.gather [hbm4b:s7+s4], $0x80, v4, vm0, $0xb8;
	[tilespmem:$0x1FC80] =	vst v63  }
0x135: {  	_ = 	snop  }
0x136: {  	[tilespmem:s14], [sflag:$0x1] =	stream.indirect_vreg.gather [hbm4b:s1+s4], $0x80, v3, vm0, $0xb8;
	[tilespmem:$0x1FC80] =	vst v63  }
0x137: {  	_ = 	snop  }
0x138: {  	[tilespmem:s12], [sflag:$0x1] =	stream.indirect_vreg.gather [hbm4b:s6+s4], $0x80, v3, vm0, $0xb8;
	[tilespmem:$0x1FC80] =	vst v63  }
0x139: {  	_ = 	snop  }
0x13a: {  	[tilespmem:s13], [sflag:$0x1] =	stream.indirect_vreg.gather [hbm4b:s7+s4], $0x80, v3, vm0, $0xb8;
	[tilespmem:$0x1FC80] =	vst v63  }
0x13b: {  	_ =	swait.ge [sflag:s30], $0x6000  }
0x13c: {  	[sflag:s30] =	ssyncset.done $0x0  }
0x13d: {  	s17 =	rddreg [dreg:$0xa];
	[sflag:s30] =	ssyncadd.s32 $0xFFFFA000  }
0x13e: {  	[hbm4b:s17+s4] =	stream.linear.scatter [tilespmem:s11], [sflag:$0x7], $0x6000, $0x38;
	[tilespmem:$0x1FC80] =	vst v63  }
0x13f: {  	_ =	swait.ge [sflag:s31], $0x6000  }
0x140: {  	[sflag:s31] =	ssyncset.done $0x0  }
0x141: {  	[sflag:s31] =	ssyncadd.s32 $0xFFFFA000  }
0x142: {  	v3 =	vld [tilespmem:$0x300];
	_ =	sdelay $0x4  }
0x143: {  	v60 =	vshrl.u32 v3, $0x3  }
0x144: {  	v4 =	vmul.u32 $0x30, v60  }
0x145: {  	v3 =	vand.u32 $0x7, v3  }
0x146: {  	v3 =	vor.u32 v3, v4  }
0x147: {  	v4 =	vperm.xlane v3, v0;
	_ =	sdelay $0x1  }
0x148: {  	v4 =	vadd.s32 v1, v4;
	_ =	sdelay $0x3  }
0x149: {  	v3 =	vperm.xlane v3, v2  }
0x14a: {  	[tilespmem:s11], [sflag:$0x2] =	stream.indirect_vreg.gather [hbm4b:s1+s4], $0x80, v4, vm0, $0xb8;
	[tilespmem:$0x1FC80] =	vst v63  }
0x14b: {  	s18 =	simm.s32 $0x6C80;
	v3 =	vadd.s32 v1, v3  }
0x14c: {  	[tilespmem:s18], [sflag:$0x2] =	stream.indirect_vreg.gather [hbm4b:s6+s4], $0x80, v4, vm0, $0xb8;
	[tilespmem:$0x1FC80] =	vst v63  }
0x14d: {  	s15 =	simm.s32 $0x7480  }
0x14e: {  	[tilespmem:s15], [sflag:$0x2] =	stream.indirect_vreg.gather [hbm4b:s7+s4], $0x80, v4, vm0, $0xb8;
	[tilespmem:$0x1FC80] =	vst v63  }
0x14f: {  	s16 =	simm.s32 $0x7C80  }
0x150: {  	[tilespmem:s16], [sflag:$0x2] =	stream.indirect_vreg.gather [hbm4b:s1+s4], $0x80, v3, vm0, $0xb8;
	[tilespmem:$0x1FC80] =	vst v63  }
0x151: {  	s17 =	simm.s32 $0x8480  }
0x152: {  	[tilespmem:s17], [sflag:$0x2] =	stream.indirect_vreg.gather [hbm4b:s6+s4], $0x80, v3, vm0, $0xb8;
	[tilespmem:$0x1FC80] =	vst v63  }
0x153: {  	s18 =	simm.s32 $0x8C80  }
0x154: {  	[tilespmem:s18], [sflag:$0x2] =	stream.indirect_vreg.gather [hbm4b:s7+s4], $0x80, v3, vm0, $0xb8;
	[tilespmem:$0x1FC80] =	vst v63  }
0x155: {  	v3 =	vld [tilespmem:$0x310];
	_ =	sdelay $0x4  }
0x156: {  	v61 =	vshrl.u32 v3, $0x3  }
0x157: {  	v4 =	vmul.u32 $0x30, v61  }
0x158: {  	v3 =	vand.u32 $0x7, v3  }
0x159: {  	v3 =	vor.u32 v3, v4  }
0x15a: {  	v4 =	vperm.xlane v3, v0;
	_ =	sdelay $0x1  }
0x15b: {  	v4 =	vadd.s32 v1, v4;
	_ =	sdelay $0x3  }
0x15c: {  	s15 =	simm.s32 $0x9480;
	v3 =	vperm.xlane v3, v2  }
0x15d: {  	[tilespmem:s15], [sflag:$0x2] =	stream.indirect_vreg.gather [hbm4b:s1+s4], $0x80, v4, vm0, $0xb8;
	[tilespmem:$0x1FC80] =	vst v63  }
0x15e: {  	s16 =	simm.s32 $0x9C80;
	v3 =	vadd.s32 v1, v3  }
0x15f: {  	[tilespmem:s16], [sflag:$0x2] =	stream.indirect_vreg.gather [hbm4b:s6+s4], $0x80, v4, vm0, $0xb8;
	[tilespmem:$0x1FC80] =	vst v63  }
0x160: {  	s17 =	simm.s32 $0xA480  }
0x161: {  	[tilespmem:s17], [sflag:$0x2] =	stream.indirect_vreg.gather [hbm4b:s7+s4], $0x80, v4, vm0, $0xb8;
	[tilespmem:$0x1FC80] =	vst v63  }
0x162: {  	s18 =	simm.s32 $0xAC80  }
0x163: {  	[tilespmem:s18], [sflag:$0x2] =	stream.indirect_vreg.gather [hbm4b:s1+s4], $0x80, v3, vm0, $0xb8;
	[tilespmem:$0x1FC80] =	vst v63  }
0x164: {  	s15 =	simm.s32 $0xB480  }
0x165: {  	[tilespmem:s15], [sflag:$0x2] =	stream.indirect_vreg.gather [hbm4b:s6+s4], $0x80, v3, vm0, $0xb8;
	[tilespmem:$0x1FC80] =	vst v63  }
0x166: {  	s16 =	simm.s32 $0xBC80  }
0x167: {  	[tilespmem:s16], [sflag:$0x2] =	stream.indirect_vreg.gather [hbm4b:s7+s4], $0x80, v3, vm0, $0xb8;
	[tilespmem:$0x1FC80] =	vst v63  }
0x168: {  	_ =	swait.ge [sflag:s0], $0x6000  }
0x169: {  	[sflag:s0] =	ssyncset.done $0x0  }
0x16a: {  	s17 =	rddreg [dreg:$0xb];
	[sflag:s0] =	ssyncadd.s32 $0xFFFFA000  }
0x16b: {  	[hbm4b:s17+s4] =	stream.linear.scatter [tilespmem:s28], [sflag:$0x8], $0x6000, $0x38;
	[tilespmem:$0x1FC80] =	vst v63  }
0x16c: {  	_ =	swait.ge [sflag:s3], $0x6000  }
0x16d: {  	[sflag:s3] =	ssyncset.done $0x0  }
0x16e: {  	[sflag:s3] =	ssyncadd.s32 $0xFFFFA000  }
0x16f: {  	v3 =	vld [tilespmem:$0x380];
	_ =	sdelay $0x4  }
0x170: {  	v62 =	vshrl.u32 v3, $0x3  }
0x171: {  	v4 =	vmul.u32 $0x30, v62  }
0x172: {  	v3 =	vand.u32 $0x7, v3  }
0x173: {  	v3 =	vor.u32 v3, v4  }
0x174: {  	v4 =	vperm.xlane v3, v0;
	_ =	sdelay $0x1  }
0x175: {  	v4 =	vadd.s32 v1, v4;
	_ =	sdelay $0x3  }
0x176: {  	v3 =	vperm.xlane v3, v2  }
0x177: {  	[tilespmem:s28], [sflag:$0x3] =	stream.indirect_vreg.gather [hbm4b:s1+s4], $0x80, v4, vm0, $0xb8;
	[tilespmem:$0x1FC80] =	vst v63  }
0x178: {  	s18 =	simm.s32 $0xCC80;
	v3 =	vadd.s32 v1, v3  }
0x179: {  	[tilespmem:s18], [sflag:$0x3] =	stream.indirect_vreg.gather [hbm4b:s6+s4], $0x80, v4, vm0, $0xb8;
	[tilespmem:$0x1FC80] =	vst v63  }
0x17a: {  	s15 =	simm.s32 $0xD480  }
0x17b: {  	[tilespmem:s15], [sflag:$0x3] =	stream.indirect_vreg.gather [hbm4b:s7+s4], $0x80, v4, vm0, $0xb8;
	[tilespmem:$0x1FC80] =	vst v63  }
0x17c: {  	s16 =	simm.s32 $0xDC80  }
0x17d: {  	[tilespmem:s16], [sflag:$0x3] =	stream.indirect_vreg.gather [hbm4b:s1+s4], $0x80, v3, vm0, $0xb8;
	[tilespmem:$0x1FC80] =	vst v63  }
0x17e: {  	s17 =	simm.s32 $0xE480  }
0x17f: {  	[tilespmem:s17], [sflag:$0x3] =	stream.indirect_vreg.gather [hbm4b:s6+s4], $0x80, v3, vm0, $0xb8;
	[tilespmem:$0x1FC80] =	vst v63  }
0x180: {  	s18 =	simm.s32 $0xEC80  }
0x181: {  	[tilespmem:s18], [sflag:$0x3] =	stream.indirect_vreg.gather [hbm4b:s7+s4], $0x80, v3, vm0, $0xb8;
	[tilespmem:$0x1FC80] =	vst v63  }
0x182: {  	v3 =	vld [tilespmem:$0x390];
	_ =	sdelay $0x4  }
0x183: {  	v63 =	vshrl.u32 v3, $0x3  }
0x184: {  	v4 =	vmul.u32 $0x30, v63  }
0x185: {  	v3 =	vand.u32 $0x7, v3  }
0x186: {  	v3 =	vor.u32 v3, v4  }
0x187: {  	v4 =	vperm.xlane v3, v0;
	_ =	sdelay $0x1  }
0x188: {  	v4 =	vadd.s32 v1, v4;
	_ =	sdelay $0x3  }
0x189: {  	s15 =	simm.s32 $0xF480;
	v3 =	vperm.xlane v3, v2  }
0x18a: {  	[tilespmem:s15], [sflag:$0x3] =	stream.indirect_vreg.gather [hbm4b:s1+s4], $0x80, v4, vm0, $0xb8;
	[tilespmem:$0x1FC80] =	vst v63  }
0x18b: {  	s16 =	simm.s32 $0xFC80;
	v3 =	vadd.s32 v1, v3  }
0x18c: {  	[tilespmem:s16], [sflag:$0x3] =	stream.indirect_vreg.gather [hbm4b:s6+s4], $0x80, v4, vm0, $0xb8;
	[tilespmem:$0x1FC80] =	vst v63  }
0x18d: {  	s17 =	simm.s32 $0x10480  }
0x18e: {  	[tilespmem:s17], [sflag:$0x3] =	stream.indirect_vreg.gather [hbm4b:s7+s4], $0x80, v4, vm0, $0xb8;
	[tilespmem:$0x1FC80] =	vst v63  }
0x18f: {  	s18 =	simm.s32 $0x10C80  }
0x190: {  	[tilespmem:s18], [sflag:$0x3] =	stream.indirect_vreg.gather [hbm4b:s1+s4], $0x80, v3, vm0, $0xb8;
	[tilespmem:$0x1FC80] =	vst v63  }
0x191: {  	s15 =	simm.s32 $0x11480  }
0x192: {  	[tilespmem:s15], [sflag:$0x3] =	stream.indirect_vreg.gather [hbm4b:s6+s4], $0x80, v3, vm0, $0xb8;
	[tilespmem:$0x1FC80] =	vst v63  }
0x193: {  	s16 =	simm.s32 $0x11C80;
	s17 =	simm.s32 $0x4  }
0x194: {  	[tilespmem:s16], [sflag:$0x3] =	stream.indirect_vreg.gather [hbm4b:s7+s4], $0x80, v3, vm0, $0xb8;
	[tilespmem:$0x1FC80] =	vst v63  }
0x195: {  	_ =	swait.ge [sflag:s17], $0x6000  }
0x196: {  	s16 =	simm.s32 $0x12480;
	[sflag:s17] =	ssyncset.done $0x0  }
0x197: {  	s18 =	rddreg [dreg:$0xc];
	[sflag:s17] =	ssyncadd.s32 $0xFFFFA000;
	s17 =	simm.s32 $0x5  }
0x198: {  	[hbm4b:s18+s4] =	stream.linear.scatter [tilespmem:s16], [sflag:$0x9], $0x6000, $0x38;
	[tilespmem:$0x1FC80] =	vst v63  }
0x199: {  	_ =	swait.ge [sflag:s17], $0x6000  }
0x19a: {  	[sflag:s17] =	ssyncset.done $0x0  }
0x19b: {  	s18 =	rddreg [dreg:$0xd];
	[sflag:s17] =	ssyncadd.s32 $0xFFFFA000  }
0x19c: {  	[hbm4b:s18+s4] =	stream.linear.scatter [tilespmem:s2], [sflag:$0xA], $0x6000, $0x38;
	[tilespmem:$0x1FC80] =	vst v63  }
0x19d: {  	_ =	swait.ge [sflag:s9], $0x6000  }
0x19e: {  	[sflag:s9] =	ssyncset.done $0x0  }
0x19f: {  	s2 =	rddreg [dreg:$0xe];
	[sflag:s9] =	ssyncadd.s32 $0xFFFFA000  }
0x1a0: {  	[hbm4b:s2+s4] =	stream.linear.scatter [tilespmem:s22], [sflag:$0x6], $0x6000, $0x38;
	[tilespmem:$0x1FC80] =	vst v63  }
0x1a1: {  	_ =	swait.ge [sflag:s30], $0x6000  }
0x1a2: {  	[sflag:s30] =	ssyncset.done $0x0  }
0x1a3: {  	s5 =	rddreg [dreg:$0xf];
	[sflag:s30] =	ssyncadd.s32 $0xFFFFA000  }
0x1a4: {  	[hbm4b:s5+s4] =	stream.linear.scatter [tilespmem:s11], [sflag:$0x7], $0x6000, $0x38;
	[tilespmem:$0x1FC80] =	vst v63  }
0x1a5: {  	_ =	swait.ge [sflag:s0], $0x6000  }
0x1a6: {  	[sflag:s0] =	ssyncset.done $0x0  }
0x1a7: {  	s16 =	rddreg [dreg:$0x10];
	[sflag:s0] =	ssyncadd.s32 $0xFFFFA000  }
0x1a8: {  	[hbm4b:s16+s4] =	stream.linear.scatter [tilespmem:s28], [sflag:$0x8], $0x6000, $0x38;
	[tilespmem:$0x1FC80] =	vst v63  }
0x1a9: {  	_ =	swait.ge [sflag:s25], $0x1800  }
0x1aa: {  	[sflag:s25] =	ssyncset.done $0x0  }
0x1ab: {  	s17 =	simm.s32 $0x9;
	[sflag:s25] =	ssyncadd.s32 $0xFFFFE800  }
0x1ac: {  	_ =	swait.ge [sflag:s17], $0x6000  }
0x1ad: {  	[sflag:s17] =	ssyncset.done $0x0  }
0x1ae: {  	s18 =	simm.s32 $0xA;
	[sflag:s17] =	ssyncadd.s32 $0xFFFFA000  }
0x1af: {  	_ =	swait.ge [sflag:s18], $0x6000  }
0x1b0: {  	[sflag:s18] =	ssyncset.done $0x0  }
0x1b1: {  	[sflag:s18] =	ssyncadd.s32 $0xFFFFA000  }
0x1b2: {  	_ =	swait.ge [sflag:s29], $0x6000  }
0x1b3: {  	[sflag:s29] =	ssyncset.done $0x0  }
0x1b4: {  	[sflag:s29] =	ssyncadd.s32 $0xFFFFA000  }
0x1b5: {  	p0 =	sne.s32 s8, $0x1;
	_ =	swait.ge [sflag:s31], $0x6000  }
.Ltmp0:
0x1b6: {  	[sflag:s31] =	ssyncset.done $0x0;
	(pc) =	sbr.rel @p0 .LBB2_1-.Ltmp0, $4  }
0x1b7: {  	[sflag:s31] =	ssyncadd.s32 $0xFFFFA000  }
0x1b8: {  	_ =	swait.ge [sflag:s3], $0x6000  }
0x1b9: {  	[sflag:s3] =	ssyncset.done $0x0  }
0x1ba: {  	s8 =	sadd.s32 $0xFFFFFFFF, s8;
	[sflag:s3] =	ssyncadd.s32 $0xFFFFA000  }
0x1bb: {  	_ =	sfence.sel $0x180000  }
0x1bc: {  	[bflag:$0x0] =	sbarrier.arrive $0xFFFF  }
0x1bd: {  	_ =	strace $0x90000047  }
0x1be: {  	s0 =	stileid.u32;
	[bflag:$0x2] =	sbarrier.arrive $0xFFFF  }
0x1bf: {  	p0 =	sne.s32 s0, $0x0;
	s0 =	rddreg [dreg:$0x4]  }
0x1c0: {  	s0 =	sadd.s32 @!p0 $0x100000, s0  }
0x1c1: {  	[sflag:s0] =	ssyncadd.tile.s32 @!p0 $0x1;
	_ =	shalt  }
.Lfunc_end2:
_tile_overlayer_lowered:
.L_overlay_start_2:
0x1c2: {  	(tag) =	ssettag $0x2  }
0x1c3: {  	s0 =	rddreg [dreg:$0x0];
	s2 =	stileid.u32  }
0x1c4: {  	s1 =	rddreg [dreg:$0x1];
	p0 =	sne.s32 s2, $0x0  }
0x1c5: {  	s3 =	rddreg [dreg:$0x2];
	[bflag:$0x3] =	sbarrier.arrive $0xFFFF;
	s2 =	simm.s32 @!p0 $0x1C0C  }
0x1c6: {  	[timem:s3], [sflag:s2] =	dma.local @!p0 [hbm:s0], s1  }
0x1c7: {  	s0 =	simm.s32 @!p0 $0xC  }
0x1c8: {  	_ =	swait.ge @!p0 [sflag:s0], s1  }
0x1c9: {  	s1 =	ssub.s32 @!p0 $0x0, s1;
	[sflag:s0] =	ssyncset.done @!p0 $0x0  }
0x1ca: {  	[sflag:s0] =	ssyncadd.s32 @!p0 s1  }
0x1cb: {  	[bflag:$0x3] =	sbarrier.arrive $0xFFFF  }
0x1cc: {  	_ =	shalt  }

</sc_bundles>
